<compile_context>
chip_gen: v7x
topology: tpu7x:2x2x1
jax: 0.10.2.dev20260603
libtpu: 0.0.44.dev20260713+nightly
codegen_flags: <defaults>
</compile_context>

<pallas_src>
import jax
import jax.numpy as jnp
from jax import lax
from jax.experimental import pallas as pl
from jax.experimental.pallas import tpu as pltpu
from jax.experimental.pallas import tpu_sc as plsc

VOCAB = 100000
EMBED = 128
SEQ = 10
HIDDEN = 1024
BATCH = 16384
NUM_IDX = BATCH * SEQ

NC, NS = 2, 16
NW = NC * NS

SLICES = (4096, 4096, 4096, 4096)
GROUND = 320


def _make_gather_body(b_per_w):
    nround = b_per_w // GROUND

    def _gather_body(table_hbm, idx_hbm, out_hbm, idx_v, rows_a, rows_b,
                     gsem_a, gsem_b, wsem_a, wsem_b):
        wid = lax.axis_index("s") * NC + lax.axis_index("c")
        base = wid * b_per_w

        bufs = [(rows_a, gsem_a, wsem_a), (rows_b, gsem_b, wsem_b)]
        gather = {}
        write = [None, None]

        def start_gather(k):
            rv, gs, _ = bufs[k % 2]
            gather[k] = pltpu.async_copy(
                table_hbm.at[idx_v.at[pl.ds(k * GROUND, GROUND)]], rv, gs)

        pltpu.sync_copy(idx_hbm.at[pl.ds(base, GROUND)],
                        idx_v.at[pl.ds(0, GROUND)])
        start_gather(0)
        if b_per_w > GROUND:
            pltpu.sync_copy(idx_hbm.at[pl.ds(base + GROUND, b_per_w - GROUND)],
                            idx_v.at[pl.ds(GROUND, b_per_w - GROUND)])
        for k in range(nround):
            rv, _, ws = bufs[k % 2]
            if k + 1 < nround:
                if write[(k + 1) % 2] is not None:
                    write[(k + 1) % 2].wait()
                start_gather(k + 1)
            gather[k].wait()
            write[k % 2] = pltpu.async_copy(
                rv, out_hbm.at[pl.ds(base + k * GROUND, GROUND)], ws)
        for w in write:
            if w is not None:
                w.wait()

    return _gather_body


def _sc_gather(table, idx):
    n_idx = idx.shape[0]
    b_per_w = n_idx // NW
    mesh = plsc.VectorSubcoreMesh(core_axis_name="c", subcore_axis_name="s")
    kfn = pl.kernel(
        _make_gather_body(b_per_w),
        mesh=mesh,
        out_type=jax.ShapeDtypeStruct((n_idx, EMBED), table.dtype),
        scratch_types=[
            pltpu.VMEM((b_per_w,), jnp.int32),
            pltpu.VMEM((GROUND, EMBED), table.dtype),
            pltpu.VMEM((GROUND, EMBED), table.dtype),
            pltpu.SemaphoreType.DMA,
            pltpu.SemaphoreType.DMA,
            pltpu.SemaphoreType.DMA,
            pltpu.SemaphoreType.DMA,
        ],
    )
    return kfn(table, idx)


def _mlp_body(g_ref, w1t_ref, b1_ref, w2c_ref, b2_ref, out_ref):
    a = jnp.concatenate([g_ref[s] for s in range(SEQ)], axis=-1)
    a = a.astype(jnp.bfloat16)
    h = jnp.dot(a, w1t_ref[...], preferred_element_type=jnp.float32)
    hb = jnp.maximum(h.astype(jnp.bfloat16) + b1_ref[...], 0)
    s128 = jnp.dot(hb, w2c_ref[...], preferred_element_type=jnp.float32)
    s = s128[:, 0] + b2_ref[0, 0]
    out_ref[...] = jax.nn.sigmoid(s)


def _tc_mlp(g3, w1t, b1, w2c, b2):
    batch_s = g3.shape[1]
    chunk_m = min(2048, batch_s)
    return pl.pallas_call(
        _mlp_body,
        grid=(batch_s // chunk_m,),
        in_specs=[
            pl.BlockSpec((SEQ, chunk_m, EMBED), lambda i: (0, i, 0)),
            pl.BlockSpec((SEQ * EMBED, HIDDEN), lambda i: (0, 0)),
            pl.BlockSpec((1, HIDDEN), lambda i: (0, 0)),
            pl.BlockSpec((HIDDEN, 128), lambda i: (0, 0)),
            pl.BlockSpec((1, 1), lambda i: (0, 0)),
        ],
        out_specs=pl.BlockSpec((chunk_m,), lambda i: (i,)),
        out_shape=jax.ShapeDtypeStruct((batch_s,), jnp.float32),
        compiler_params=pltpu.CompilerParams(
            dimension_semantics=("parallel",),
        ),
    )(g3, w1t, b1, w2c, b2)


def kernel(x, table, W1, b1, W2, b2):
    w1t = W1.T.astype(jnp.bfloat16)
    b1r = b1.astype(jnp.bfloat16).reshape(1, HIDDEN)
    w2c = jnp.zeros((HIDDEN, 128), jnp.float32).at[:, 0].set(W2[0])
    w2c = w2c.astype(jnp.bfloat16)
    b2r = b2.reshape(1, 1)
    outs = []
    start = 0
    for bs in SLICES:
        xs = x[start:start + bs]
        idx = xs.T.reshape(-1)
        rows = _sc_gather(table, idx)
        g3 = rows.reshape(SEQ, bs, EMBED)
        outs.append(_tc_mlp(g3, w1t, b1r, w2c, b2r))
        start += bs
    return jnp.concatenate(outs)

# --- scband reference (transcript-rebuilt; emitter-appended) ---
"""Pipeline reference for scband-stress-model-51582557225323 (READ-ONLY COPY).

The authoritative reference and input builder live on the scoring server;
editing this copy changes nothing except your own understanding.
"""

import jax, jax.numpy as jnp
import numpy as np

VOCAB = 100000
EMBED = 128
SEQ = 10
HIDDEN = 1024
BATCH = 16384

def setup_inputs(seed: int = 0) -> dict:
    key = jax.random.key(seed)
    k1, k2, k3, k4, k5, k6 = jax.random.split(key, 6)
    x = jax.random.randint(k1, (BATCH, SEQ), 0, VOCAB, dtype=jnp.int64 if jax.config.jax_enable_x64 else jnp.int32).astype(jnp.int32)
    table = jax.random.normal(k2, (VOCAB, EMBED), dtype=jnp.float32)
    # padding_idx=0 row is zeros in torch
    table = table.at[0].set(0.0)
    fan1 = EMBED * SEQ
    W1 = jax.random.uniform(k3, (HIDDEN, fan1), dtype=jnp.float32, minval=-1.0, maxval=1.0) / np.sqrt(fan1)
    b1 = jax.random.uniform(k4, (HIDDEN,), dtype=jnp.float32, minval=-1.0, maxval=1.0) / np.sqrt(fan1)
    W2 = jax.random.uniform(k5, (1, HIDDEN), dtype=jnp.float32, minval=-1.0, maxval=1.0) / np.sqrt(HIDDEN)
    b2 = jax.random.uniform(k6, (1,), dtype=jnp.float32, minval=-1.0, maxval=1.0) / np.sqrt(HIDDEN)
    return {"x": x, "table": table, "W1": W1, "b1": b1, "W2": W2, "b2": b2}

def reference(x, table, W1, b1, W2, b2):
    embedded = jnp.take(table, x, axis=0)            # [B, SEQ, EMBED]
    flat = embedded.reshape(x.shape[0], -1)           # [B, SEQ*EMBED]
    out = flat @ W1.T + b1                            # [B, HIDDEN]
    out = jax.nn.relu(out)
    # dropout is identity in eval mode
    out = out @ W2.T + b2                             # [B, 1]
    return jax.nn.sigmoid(out).squeeze(1)             # [B]

if __name__ == "__main__":
    import jax
    _d = setup_inputs()
    print(jax.jit(kernel)(*tuple(_d.values())))

</pallas_src>

<mosaic_0001>
#map = affine_map<(d0, d1) -> (0, 0)>
#map1 = affine_map<(d0, d1) -> (0)>
module attributes {stable_mosaic.version = 14 : i64} {
  func.func @_gather_body(%arg0: i32, %arg1: i32, %arg2: memref<100000x128xf32, #tpu.memory_space<hbm>>, %arg3: memref<40960xi32, #tpu.memory_space<hbm>>, %arg4: memref<40960x128xf32, #tpu.memory_space<hbm>>, %arg5: memref<1280xi32, #tpu.memory_space<vmem>>, %arg6: memref<320x128xf32, #tpu.memory_space<vmem>>, %arg7: memref<320x128xf32, #tpu.memory_space<vmem>>, %arg8: memref<!tpu.dma_semaphore, #tpu.memory_space<semaphore_mem>>, %arg9: memref<!tpu.dma_semaphore, #tpu.memory_space<semaphore_mem>>, %arg10: memref<!tpu.dma_semaphore, #tpu.memory_space<semaphore_mem>>, %arg11: memref<!tpu.dma_semaphore, #tpu.memory_space<semaphore_mem>>) attributes {dimension_semantics = [#tpu.dimension_semantics<core_parallel>, #tpu.dimension_semantics<subcore_parallel>], iteration_bounds = array<i64: 2, 16>, scalar_prefetch = 0 : i64, scratch_operands = 7 : i64, tpu.core_type = #tpu.core_type<sc_vector_subcore>, window_params = [{transform_indices = #map}, {transform_indices = #map1}, {transform_indices = #map}]} {
    %mul3A = arith.constant 2 : i32
    %mul3A_0 = arith.muli %arg1, %mul3A : i32
    %add3A = arith.addi %mul3A_0, %arg0 : i32
    %mul3A_1 = arith.constant 1280 : i32
    %mul3A_2 = arith.muli %add3A, %mul3A_1 : i32
    "tpu.region"() ({
      %run_scoped3A = tpu.sem_alloc : memref<!tpu.dma_semaphore, #tpu.memory_space<semaphore_mem>>
      %dma_start3A_83 = arith.constant 0 : i32
      %dma_start3A_84 = tpu.memref_slice %arg5[%dma_start3A_83] : memref<1280xi32, #tpu.memory_space<vmem>> -> memref<320xi32, #tpu.memory_space<vmem>>
      %dma_start3A_85 = tpu.memref_slice %arg3[%mul3A_2] : memref<40960xi32, #tpu.memory_space<hbm>> -> memref<320xi32, #tpu.memory_space<hbm>>
      %dma_start3A_86 = arith.constant 0 : i32
      %dma_start3A_87 = tpu.memref_slice %arg5[%dma_start3A_86] : memref<1280xi32, #tpu.memory_space<vmem>> -> memref<320xi32, #tpu.memory_space<vmem>>
      %dma_start3A_88 = tpu.memref_slice %arg3[%mul3A_2] : memref<40960xi32, #tpu.memory_space<hbm>> -> memref<320xi32, #tpu.memory_space<hbm>>
      tpu.enqueue_dma source(%dma_start3A_88 : memref<320xi32, #tpu.memory_space<hbm>>) target(%dma_start3A_87 : memref<320xi32, #tpu.memory_space<vmem>>) target_semaphore(%run_scoped3A : memref<!tpu.dma_semaphore, #tpu.memory_space<semaphore_mem>>)
      %dma_wait3A_89 = arith.constant 0 : i32
      %dma_wait3A_90 = tpu.memref_slice %arg5[%dma_wait3A_89] : memref<1280xi32, #tpu.memory_space<vmem>> -> memref<320xi32, #tpu.memory_space<vmem>>
      %dma_wait3A_91 = tpu.memref_slice %arg3[%mul3A_2] : memref<40960xi32, #tpu.memory_space<hbm>> -> memref<320xi32, #tpu.memory_space<hbm>>
      %dma_wait3A_92 = arith.constant 0 : i32
      %dma_wait3A_93 = tpu.memref_slice %arg5[%dma_wait3A_92] : memref<1280xi32, #tpu.memory_space<vmem>> -> memref<320xi32, #tpu.memory_space<vmem>>
      %dma_wait3A_94 = tpu.memref_slice %arg3[%mul3A_2] : memref<40960xi32, #tpu.memory_space<hbm>> -> memref<320xi32, #tpu.memory_space<hbm>>
      tpu.wait_dma2 semaphore(%run_scoped3A : memref<!tpu.dma_semaphore, #tpu.memory_space<semaphore_mem>>) src(%dma_wait3A_94 : memref<320xi32, #tpu.memory_space<hbm>>) dst(%dma_wait3A_93 : memref<320xi32, #tpu.memory_space<vmem>>)
      tpu.yield
    }) : () -> ()
    %dma_start3A = arith.constant 0 : i32
    %dma_start3A_3 = tpu.memref_slice %arg5[%dma_start3A] : memref<1280xi32, #tpu.memory_space<vmem>> -> memref<320xi32, #tpu.memory_space<vmem>>
    %dma_start3A_4 = arith.constant 0 : i32
    %dma_start3A_5 = arith.constant 0 : i32
    %dma_start3A_6 = tpu.memref_slice %arg2[%dma_start3A_4, %dma_start3A_5] : memref<100000x128xf32, #tpu.memory_space<hbm>> -> memref<100000x128xf32, #tpu.memory_space<hbm>>
    tpu.enqueue_indirect_dma source(%dma_start3A_6 : memref<100000x128xf32, #tpu.memory_space<hbm>>) target(%arg6 : memref<320x128xf32, #tpu.memory_space<vmem>>) offsets(%dma_start3A_3 : memref<320xi32, #tpu.memory_space<vmem>>) semaphore(%arg8 : memref<!tpu.dma_semaphore, #tpu.memory_space<semaphore_mem>>)
    %add3A_7 = arith.constant 320 : i32
    %add3A_8 = arith.addi %mul3A_2, %add3A_7 : i32
    "tpu.region"() ({
      %run_scoped3A = tpu.sem_alloc : memref<!tpu.dma_semaphore, #tpu.memory_space<semaphore_mem>>
      %dma_start3A_83 = arith.constant 320 : i32
      %dma_start3A_84 = tpu.memref_slice %arg5[%dma_start3A_83] : memref<1280xi32, #tpu.memory_space<vmem>> -> memref<960xi32, #tpu.memory_space<vmem>>
      %dma_start3A_85 = tpu.memref_slice %arg3[%add3A_8] : memref<40960xi32, #tpu.memory_space<hbm>> -> memref<960xi32, #tpu.memory_space<hbm>>
      %dma_start3A_86 = arith.constant 320 : i32
      %dma_start3A_87 = tpu.memref_slice %arg5[%dma_start3A_86] : memref<1280xi32, #tpu.memory_space<vmem>> -> memref<960xi32, #tpu.memory_space<vmem>>
      %dma_start3A_88 = tpu.memref_slice %arg3[%add3A_8] : memref<40960xi32, #tpu.memory_space<hbm>> -> memref<960xi32, #tpu.memory_space<hbm>>
      tpu.enqueue_dma source(%dma_start3A_88 : memref<960xi32, #tpu.memory_space<hbm>>) target(%dma_start3A_87 : memref<960xi32, #tpu.memory_space<vmem>>) target_semaphore(%run_scoped3A : memref<!tpu.dma_semaphore, #tpu.memory_space<semaphore_mem>>)
      %dma_wait3A_89 = arith.constant 320 : i32
      %dma_wait3A_90 = tpu.memref_slice %arg5[%dma_wait3A_89] : memref<1280xi32, #tpu.memory_space<vmem>> -> memref<960xi32, #tpu.memory_space<vmem>>
      %dma_wait3A_91 = tpu.memref_slice %arg3[%add3A_8] : memref<40960xi32, #tpu.memory_space<hbm>> -> memref<960xi32, #tpu.memory_space<hbm>>
      %dma_wait3A_92 = arith.constant 320 : i32
      %dma_wait3A_93 = tpu.memref_slice %arg5[%dma_wait3A_92] : memref<1280xi32, #tpu.memory_space<vmem>> -> memref<960xi32, #tpu.memory_space<vmem>>
      %dma_wait3A_94 = tpu.memref_slice %arg3[%add3A_8] : memref<40960xi32, #tpu.memory_space<hbm>> -> memref<960xi32, #tpu.memory_space<hbm>>
      tpu.wait_dma2 semaphore(%run_scoped3A : memref<!tpu.dma_semaphore, #tpu.memory_space<semaphore_mem>>) src(%dma_wait3A_94 : memref<960xi32, #tpu.memory_space<hbm>>) dst(%dma_wait3A_93 : memref<960xi32, #tpu.memory_space<vmem>>)
      tpu.yield
    }) : () -> ()
    %dma_start3A_9 = arith.constant 320 : i32
    %dma_start3A_10 = tpu.memref_slice %arg5[%dma_start3A_9] : memref<1280xi32, #tpu.memory_space<vmem>> -> memref<320xi32, #tpu.memory_space<vmem>>
    %dma_start3A_11 = arith.constant 0 : i32
    %dma_start3A_12 = arith.constant 0 : i32
    %dma_start3A_13 = tpu.memref_slice %arg2[%dma_start3A_11, %dma_start3A_12] : memref<100000x128xf32, #tpu.memory_space<hbm>> -> memref<100000x128xf32, #tpu.memory_space<hbm>>
    tpu.enqueue_indirect_dma source(%dma_start3A_13 : memref<100000x128xf32, #tpu.memory_space<hbm>>) target(%arg7 : memref<320x128xf32, #tpu.memory_space<vmem>>) offsets(%dma_start3A_10 : memref<320xi32, #tpu.memory_space<vmem>>) semaphore(%arg9 : memref<!tpu.dma_semaphore, #tpu.memory_space<semaphore_mem>>)
    %dma_wait3A = arith.constant 0 : i32
    %dma_wait3A_14 = tpu.memref_slice %arg5[%dma_wait3A] : memref<1280xi32, #tpu.memory_space<vmem>> -> memref<320xi32, #tpu.memory_space<vmem>>
    %dma_wait3A_15 = arith.constant 0 : i32
    %dma_wait3A_16 = arith.constant 0 : i32
    %dma_wait3A_17 = tpu.memref_slice %arg2[%dma_wait3A_15, %dma_wait3A_16] : memref<100000x128xf32, #tpu.memory_space<hbm>> -> memref<100000x128xf32, #tpu.memory_space<hbm>>
    tpu.wait_indirect_dma semaphore(%arg8 : memref<!tpu.dma_semaphore, #tpu.memory_space<semaphore_mem>>) src(%dma_wait3A_17 : memref<100000x128xf32, #tpu.memory_space<hbm>>) dst(%arg6 : memref<320x128xf32, #tpu.memory_space<vmem>>)
    %add3A_18 = arith.constant 0 : i32
    %add3A_19 = arith.addi %mul3A_2, %add3A_18 : i32
    %dma_start3A_20 = arith.constant 0 : i32
    %dma_start3A_21 = tpu.memref_slice %arg4[%add3A_19, %dma_start3A_20] : memref<40960x128xf32, #tpu.memory_space<hbm>> -> memref<320x128xf32, #tpu.memory_space<hbm>>
    %dma_start3A_22 = arith.constant 0 : i32
    %dma_start3A_23 = tpu.memref_slice %arg4[%add3A_19, %dma_start3A_22] : memref<40960x128xf32, #tpu.memory_space<hbm>> -> memref<320x128xf32, #tpu.memory_space<hbm>>
    tpu.enqueue_dma source(%arg6 : memref<320x128xf32, #tpu.memory_space<vmem>>) target(%dma_start3A_23 : memref<320x128xf32, #tpu.memory_space<hbm>>) target_semaphore(%arg10 : memref<!tpu.dma_semaphore, #tpu.memory_space<semaphore_mem>>)
    %dma_wait3A_24 = arith.constant 0 : i32
    %dma_wait3A_25 = tpu.memref_slice %arg4[%add3A_19, %dma_wait3A_24] : memref<40960x128xf32, #tpu.memory_space<hbm>> -> memref<320x128xf32, #tpu.memory_space<hbm>>
    %dma_wait3A_26 = arith.constant 0 : i32
    %dma_wait3A_27 = tpu.memref_slice %arg4[%add3A_19, %dma_wait3A_26] : memref<40960x128xf32, #tpu.memory_space<hbm>> -> memref<320x128xf32, #tpu.memory_space<hbm>>
    tpu.wait_dma2 semaphore(%arg10 : memref<!tpu.dma_semaphore, #tpu.memory_space<semaphore_mem>>) src(%arg6 : memref<320x128xf32, #tpu.memory_space<vmem>>) dst(%dma_wait3A_27 : memref<320x128xf32, #tpu.memory_space<hbm>>)
    %dma_start3A_28 = arith.constant 640 : i32
    %dma_start3A_29 = tpu.memref_slice %arg5[%dma_start3A_28] : memref<1280xi32, #tpu.memory_space<vmem>> -> memref<320xi32, #tpu.memory_space<vmem>>
    %dma_start3A_30 = arith.constant 0 : i32
    %dma_start3A_31 = arith.constant 0 : i32
    %dma_start3A_32 = tpu.memref_slice %arg2[%dma_start3A_30, %dma_start3A_31] : memref<100000x128xf32, #tpu.memory_space<hbm>> -> memref<100000x128xf32, #tpu.memory_space<hbm>>
    tpu.enqueue_indirect_dma source(%dma_start3A_32 : memref<100000x128xf32, #tpu.memory_space<hbm>>) target(%arg6 : memref<320x128xf32, #tpu.memory_space<vmem>>) offsets(%dma_start3A_29 : memref<320xi32, #tpu.memory_space<vmem>>) semaphore(%arg8 : memref<!tpu.dma_semaphore, #tpu.memory_space<semaphore_mem>>)
    %dma_wait3A_33 = arith.constant 320 : i32
    %dma_wait3A_34 = tpu.memref_slice %arg5[%dma_wait3A_33] : memref<1280xi32, #tpu.memory_space<vmem>> -> memref<320xi32, #tpu.memory_space<vmem>>
    %dma_wait3A_35 = arith.constant 0 : i32
    %dma_wait3A_36 = arith.constant 0 : i32
    %dma_wait3A_37 = tpu.memref_slice %arg2[%dma_wait3A_35, %dma_wait3A_36] : memref<100000x128xf32, #tpu.memory_space<hbm>> -> memref<100000x128xf32, #tpu.memory_space<hbm>>
    tpu.wait_indirect_dma semaphore(%arg9 : memref<!tpu.dma_semaphore, #tpu.memory_space<semaphore_mem>>) src(%dma_wait3A_37 : memref<100000x128xf32, #tpu.memory_space<hbm>>) dst(%arg7 : memref<320x128xf32, #tpu.memory_space<vmem>>)
    %add3A_38 = arith.constant 320 : i32
    %add3A_39 = arith.addi %mul3A_2, %add3A_38 : i32
    %dma_start3A_40 = arith.constant 0 : i32
    %dma_start3A_41 = tpu.memref_slice %arg4[%add3A_39, %dma_start3A_40] : memref<40960x128xf32, #tpu.memory_space<hbm>> -> memref<320x128xf32, #tpu.memory_space<hbm>>
    %dma_start3A_42 = arith.constant 0 : i32
    %dma_start3A_43 = tpu.memref_slice %arg4[%add3A_39, %dma_start3A_42] : memref<40960x128xf32, #tpu.memory_space<hbm>> -> memref<320x128xf32, #tpu.memory_space<hbm>>
    tpu.enqueue_dma source(%arg7 : memref<320x128xf32, #tpu.memory_space<vmem>>) target(%dma_start3A_43 : memref<320x128xf32, #tpu.memory_space<hbm>>) target_semaphore(%arg11 : memref<!tpu.dma_semaphore, #tpu.memory_space<semaphore_mem>>)
    %dma_wait3A_44 = arith.constant 0 : i32
    %dma_wait3A_45 = tpu.memref_slice %arg4[%add3A_39, %dma_wait3A_44] : memref<40960x128xf32, #tpu.memory_space<hbm>> -> memref<320x128xf32, #tpu.memory_space<hbm>>
    %dma_wait3A_46 = arith.constant 0 : i32
    %dma_wait3A_47 = tpu.memref_slice %arg4[%add3A_39, %dma_wait3A_46] : memref<40960x128xf32, #tpu.memory_space<hbm>> -> memref<320x128xf32, #tpu.memory_space<hbm>>
    tpu.wait_dma2 semaphore(%arg11 : memref<!tpu.dma_semaphore, #tpu.memory_space<semaphore_mem>>) src(%arg7 : memref<320x128xf32, #tpu.memory_space<vmem>>) dst(%dma_wait3A_47 : memref<320x128xf32, #tpu.memory_space<hbm>>)
    %dma_start3A_48 = arith.constant 960 : i32
    %dma_start3A_49 = tpu.memref_slice %arg5[%dma_start3A_48] : memref<1280xi32, #tpu.memory_space<vmem>> -> memref<320xi32, #tpu.memory_space<vmem>>
    %dma_start3A_50 = arith.constant 0 : i32
    %dma_start3A_51 = arith.constant 0 : i32
    %dma_start3A_52 = tpu.memref_slice %arg2[%dma_start3A_50, %dma_start3A_51] : memref<100000x128xf32, #tpu.memory_space<hbm>> -> memref<100000x128xf32, #tpu.memory_space<hbm>>
    tpu.enqueue_indirect_dma source(%dma_start3A_52 : memref<100000x128xf32, #tpu.memory_space<hbm>>) target(%arg7 : memref<320x128xf32, #tpu.memory_space<vmem>>) offsets(%dma_start3A_49 : memref<320xi32, #tpu.memory_space<vmem>>) semaphore(%arg9 : memref<!tpu.dma_semaphore, #tpu.memory_space<semaphore_mem>>)
    %dma_wait3A_53 = arith.constant 640 : i32
    %dma_wait3A_54 = tpu.memref_slice %arg5[%dma_wait3A_53] : memref<1280xi32, #tpu.memory_space<vmem>> -> memref<320xi32, #tpu.memory_space<vmem>>
    %dma_wait3A_55 = arith.constant 0 : i32
    %dma_wait3A_56 = arith.constant 0 : i32
    %dma_wait3A_57 = tpu.memref_slice %arg2[%dma_wait3A_55, %dma_wait3A_56] : memref<100000x128xf32, #tpu.memory_space<hbm>> -> memref<100000x128xf32, #tpu.memory_space<hbm>>
    tpu.wait_indirect_dma semaphore(%arg8 : memref<!tpu.dma_semaphore, #tpu.memory_space<semaphore_mem>>) src(%dma_wait3A_57 : memref<100000x128xf32, #tpu.memory_space<hbm>>) dst(%arg6 : memref<320x128xf32, #tpu.memory_space<vmem>>)
    %add3A_58 = arith.constant 640 : i32
    %add3A_59 = arith.addi %mul3A_2, %add3A_58 : i32
    %dma_start3A_60 = arith.constant 0 : i32
    %dma_start3A_61 = tpu.memref_slice %arg4[%add3A_59, %dma_start3A_60] : memref<40960x128xf32, #tpu.memory_space<hbm>> -> memref<320x128xf32, #tpu.memory_space<hbm>>
    %dma_start3A_62 = arith.constant 0 : i32
    %dma_start3A_63 = tpu.memref_slice %arg4[%add3A_59, %dma_start3A_62] : memref<40960x128xf32, #tpu.memory_space<hbm>> -> memref<320x128xf32, #tpu.memory_space<hbm>>
    tpu.enqueue_dma source(%arg6 : memref<320x128xf32, #tpu.memory_space<vmem>>) target(%dma_start3A_63 : memref<320x128xf32, #tpu.memory_space<hbm>>) target_semaphore(%arg10 : memref<!tpu.dma_semaphore, #tpu.memory_space<semaphore_mem>>)
    %dma_wait3A_64 = arith.constant 960 : i32
    %dma_wait3A_65 = tpu.memref_slice %arg5[%dma_wait3A_64] : memref<1280xi32, #tpu.memory_space<vmem>> -> memref<320xi32, #tpu.memory_space<vmem>>
    %dma_wait3A_66 = arith.constant 0 : i32
    %dma_wait3A_67 = arith.constant 0 : i32
    %dma_wait3A_68 = tpu.memref_slice %arg2[%dma_wait3A_66, %dma_wait3A_67] : memref<100000x128xf32, #tpu.memory_space<hbm>> -> memref<100000x128xf32, #tpu.memory_space<hbm>>
    tpu.wait_indirect_dma semaphore(%arg9 : memref<!tpu.dma_semaphore, #tpu.memory_space<semaphore_mem>>) src(%dma_wait3A_68 : memref<100000x128xf32, #tpu.memory_space<hbm>>) dst(%arg7 : memref<320x128xf32, #tpu.memory_space<vmem>>)
    %add3A_69 = arith.constant 960 : i32
    %add3A_70 = arith.addi %mul3A_2, %add3A_69 : i32
    %dma_start3A_71 = arith.constant 0 : i32
    %dma_start3A_72 = tpu.memref_slice %arg4[%add3A_70, %dma_start3A_71] : memref<40960x128xf32, #tpu.memory_space<hbm>> -> memref<320x128xf32, #tpu.memory_space<hbm>>
    %dma_start3A_73 = arith.constant 0 : i32
    %dma_start3A_74 = tpu.memref_slice %arg4[%add3A_70, %dma_start3A_73] : memref<40960x128xf32, #tpu.memory_space<hbm>> -> memref<320x128xf32, #tpu.memory_space<hbm>>
    tpu.enqueue_dma source(%arg7 : memref<320x128xf32, #tpu.memory_space<vmem>>) target(%dma_start3A_74 : memref<320x128xf32, #tpu.memory_space<hbm>>) target_semaphore(%arg11 : memref<!tpu.dma_semaphore, #tpu.memory_space<semaphore_mem>>)
    %dma_wait3A_75 = arith.constant 0 : i32
    %dma_wait3A_76 = tpu.memref_slice %arg4[%add3A_59, %dma_wait3A_75] : memref<40960x128xf32, #tpu.memory_space<hbm>> -> memref<320x128xf32, #tpu.memory_space<hbm>>
    %dma_wait3A_77 = arith.constant 0 : i32
    %dma_wait3A_78 = tpu.memref_slice %arg4[%add3A_59, %dma_wait3A_77] : memref<40960x128xf32, #tpu.memory_space<hbm>> -> memref<320x128xf32, #tpu.memory_space<hbm>>
    tpu.wait_dma2 semaphore(%arg10 : memref<!tpu.dma_semaphore, #tpu.memory_space<semaphore_mem>>) src(%arg6 : memref<320x128xf32, #tpu.memory_space<vmem>>) dst(%dma_wait3A_78 : memref<320x128xf32, #tpu.memory_space<hbm>>)
    %dma_wait3A_79 = arith.constant 0 : i32
    %dma_wait3A_80 = tpu.memref_slice %arg4[%add3A_70, %dma_wait3A_79] : memref<40960x128xf32, #tpu.memory_space<hbm>> -> memref<320x128xf32, #tpu.memory_space<hbm>>
    %dma_wait3A_81 = arith.constant 0 : i32
    %dma_wait3A_82 = tpu.memref_slice %arg4[%add3A_70, %dma_wait3A_81] : memref<40960x128xf32, #tpu.memory_space<hbm>> -> memref<320x128xf32, #tpu.memory_space<hbm>>
    tpu.wait_dma2 semaphore(%arg11 : memref<!tpu.dma_semaphore, #tpu.memory_space<semaphore_mem>>) src(%arg7 : memref<320x128xf32, #tpu.memory_space<vmem>>) dst(%dma_wait3A_82 : memref<320x128xf32, #tpu.memory_space<hbm>>)
    return
  }
}

#map = affine_map<(d0, d1) -> (0, 0)>
#map1 = affine_map<(d0, d1) -> (0)>
module attributes {stable_mosaic.version = 14 : i64} {
  func.func @_gather_body(%arg0: i32, %arg1: i32, %arg2: memref<100000x128xf32, #tpu.memory_space<hbm>>, %arg3: memref<40960xi32, #tpu.memory_space<hbm>>, %arg4: memref<40960x128xf32, #tpu.memory_space<hbm>>, %arg5: memref<1280xi32, #tpu.memory_space<vmem>>, %arg6: memref<320x128xf32, #tpu.memory_space<vmem>>, %arg7: memref<320x128xf32, #tpu.memory_space<vmem>>, %arg8: memref<!tpu.dma_semaphore, #tpu.memory_space<semaphore_mem>>, %arg9: memref<!tpu.dma_semaphore, #tpu.memory_space<semaphore_mem>>, %arg10: memref<!tpu.dma_semaphore, #tpu.memory_space<semaphore_mem>>, %arg11: memref<!tpu.dma_semaphore, #tpu.memory_space<semaphore_mem>>) attributes {dimension_semantics = [#tpu.dimension_semantics<core_parallel>, #tpu.dimension_semantics<subcore_parallel>], iteration_bounds = array<i64: 2, 16>, scalar_prefetch = 0 : i64, scratch_operands = 7 : i64, tpu.core_type = #tpu.core_type<sc_vector_subcore>, window_params = [{transform_indices = #map}, {transform_indices = #map1}, {transform_indices = #map}]} {
    %mul3A = arith.constant 2 : i32
    %mul3A_0 = arith.muli %arg1, %mul3A : i32
    %add3A = arith.addi %mul3A_0, %arg0 : i32
    %mul3A_1 = arith.constant 1280 : i32
    %mul3A_2 = arith.muli %add3A, %mul3A_1 : i32
    "tpu.region"() ({
      %run_scoped3A = tpu.sem_alloc : memref<!tpu.dma_semaphore, #tpu.memory_space<semaphore_mem>>
      %dma_start3A_83 = arith.constant 0 : i32
      %dma_start3A_84 = tpu.memref_slice %arg5[%dma_start3A_83] : memref<1280xi32, #tpu.memory_space<vmem>> -> memref<320xi32, #tpu.memory_space<vmem>>
      %dma_start3A_85 = tpu.memref_slice %arg3[%mul3A_2] : memref<40960xi32, #tpu.memory_space<hbm>> -> memref<320xi32, #tpu.memory_space<hbm>>
      %dma_start3A_86 = arith.constant 0 : i32
      %dma_start3A_87 = tpu.memref_slice %arg5[%dma_start3A_86] : memref<1280xi32, #tpu.memory_space<vmem>> -> memref<320xi32, #tpu.memory_space<vmem>>
      %dma_start3A_88 = tpu.memref_slice %arg3[%mul3A_2] : memref<40960xi32, #tpu.memory_space<hbm>> -> memref<320xi32, #tpu.memory_space<hbm>>
      tpu.enqueue_dma source(%dma_start3A_88 : memref<320xi32, #tpu.memory_space<hbm>>) target(%dma_start3A_87 : memref<320xi32, #tpu.memory_space<vmem>>) target_semaphore(%run_scoped3A : memref<!tpu.dma_semaphore, #tpu.memory_space<semaphore_mem>>)
      %dma_wait3A_89 = arith.constant 0 : i32
      %dma_wait3A_90 = tpu.memref_slice %arg5[%dma_wait3A_89] : memref<1280xi32, #tpu.memory_space<vmem>> -> memref<320xi32, #tpu.memory_space<vmem>>
      %dma_wait3A_91 = tpu.memref_slice %arg3[%mul3A_2] : memref<40960xi32, #tpu.memory_space<hbm>> -> memref<320xi32, #tpu.memory_space<hbm>>
      %dma_wait3A_92 = arith.constant 0 : i32
      %dma_wait3A_93 = tpu.memref_slice %arg5[%dma_wait3A_92] : memref<1280xi32, #tpu.memory_space<vmem>> -> memref<320xi32, #tpu.memory_space<vmem>>
      %dma_wait3A_94 = tpu.memref_slice %arg3[%mul3A_2] : memref<40960xi32, #tpu.memory_space<hbm>> -> memref<320xi32, #tpu.memory_space<hbm>>
      tpu.wait_dma2 semaphore(%run_scoped3A : memref<!tpu.dma_semaphore, #tpu.memory_space<semaphore_mem>>) src(%dma_wait3A_94 : memref<320xi32, #tpu.memory_space<hbm>>) dst(%dma_wait3A_93 : memref<320xi32, #tpu.memory_space<vmem>>)
      tpu.yield
    }) : () -> ()
    %dma_start3A = arith.constant 0 : i32
    %dma_start3A_3 = tpu.memref_slice %arg5[%dma_start3A] : memref<1280xi32, #tpu.memory_space<vmem>> -> memref<320xi32, #tpu.memory_space<vmem>>
    %dma_start3A_4 = arith.constant 0 : i32
    %dma_start3A_5 = arith.constant 0 : i32
    %dma_start3A_6 = tpu.memref_slice %arg2[%dma_start3A_4, %dma_start3A_5] : memref<100000x128xf32, #tpu.memory_space<hbm>> -> memref<100000x128xf32, #tpu.memory_space<hbm>>
    tpu.enqueue_indirect_dma source(%dma_start3A_6 : memref<100000x128xf32, #tpu.memory_space<hbm>>) target(%arg6 : memref<320x128xf32, #tpu.memory_space<vmem>>) offsets(%dma_start3A_3 : memref<320xi32, #tpu.memory_space<vmem>>) semaphore(%arg8 : memref<!tpu.dma_semaphore, #tpu.memory_space<semaphore_mem>>)
    %add3A_7 = arith.constant 320 : i32
    %add3A_8 = arith.addi %mul3A_2, %add3A_7 : i32
    "tpu.region"() ({
      %run_scoped3A = tpu.sem_alloc : memref<!tpu.dma_semaphore, #tpu.memory_space<semaphore_mem>>
      %dma_start3A_83 = arith.constant 320 : i32
      %dma_start3A_84 = tpu.memref_slice %arg5[%dma_start3A_83] : memref<1280xi32, #tpu.memory_space<vmem>> -> memref<960xi32, #tpu.memory_space<vmem>>
      %dma_start3A_85 = tpu.memref_slice %arg3[%add3A_8] : memref<40960xi32, #tpu.memory_space<hbm>> -> memref<960xi32, #tpu.memory_space<hbm>>
      %dma_start3A_86 = arith.constant 320 : i32
      %dma_start3A_87 = tpu.memref_slice %arg5[%dma_start3A_86] : memref<1280xi32, #tpu.memory_space<vmem>> -> memref<960xi32, #tpu.memory_space<vmem>>
      %dma_start3A_88 = tpu.memref_slice %arg3[%add3A_8] : memref<40960xi32, #tpu.memory_space<hbm>> -> memref<960xi32, #tpu.memory_space<hbm>>
      tpu.enqueue_dma source(%dma_start3A_88 : memref<960xi32, #tpu.memory_space<hbm>>) target(%dma_start3A_87 : memref<960xi32, #tpu.memory_space<vmem>>) target_semaphore(%run_scoped3A : memref<!tpu.dma_semaphore, #tpu.memory_space<semaphore_mem>>)
      %dma_wait3A_89 = arith.constant 320 : i32
      %dma_wait3A_90 = tpu.memref_slice %arg5[%dma_wait3A_89] : memref<1280xi32, #tpu.memory_space<vmem>> -> memref<960xi32, #tpu.memory_space<vmem>>
      %dma_wait3A_91 = tpu.memref_slice %arg3[%add3A_8] : memref<40960xi32, #tpu.memory_space<hbm>> -> memref<960xi32, #tpu.memory_space<hbm>>
      %dma_wait3A_92 = arith.constant 320 : i32
      %dma_wait3A_93 = tpu.memref_slice %arg5[%dma_wait3A_92] : memref<1280xi32, #tpu.memory_space<vmem>> -> memref<960xi32, #tpu.memory_space<vmem>>
      %dma_wait3A_94 = tpu.memref_slice %arg3[%add3A_8] : memref<40960xi32, #tpu.memory_space<hbm>> -> memref<960xi32, #tpu.memory_space<hbm>>
      tpu.wait_dma2 semaphore(%run_scoped3A : memref<!tpu.dma_semaphore, #tpu.memory_space<semaphore_mem>>) src(%dma_wait3A_94 : memref<960xi32, #tpu.memory_space<hbm>>) dst(%dma_wait3A_93 : memref<960xi32, #tpu.memory_space<vmem>>)
      tpu.yield
    }) : () -> ()
    %dma_start3A_9 = arith.constant 320 : i32
    %dma_start3A_10 = tpu.memref_slice %arg5[%dma_start3A_9] : memref<1280xi32, #tpu.memory_space<vmem>> -> memref<320xi32, #tpu.memory_space<vmem>>
    %dma_start3A_11 = arith.constant 0 : i32
    %dma_start3A_12 = arith.constant 0 : i32
    %dma_start3A_13 = tpu.memref_slice %arg2[%dma_start3A_11, %dma_start3A_12] : memref<100000x128xf32, #tpu.memory_space<hbm>> -> memref<100000x128xf32, #tpu.memory_space<hbm>>
    tpu.enqueue_indirect_dma source(%dma_start3A_13 : memref<100000x128xf32, #tpu.memory_space<hbm>>) target(%arg7 : memref<320x128xf32, #tpu.memory_space<vmem>>) offsets(%dma_start3A_10 : memref<320xi32, #tpu.memory_space<vmem>>) semaphore(%arg9 : memref<!tpu.dma_semaphore, #tpu.memory_space<semaphore_mem>>)
    %dma_wait3A = arith.constant 0 : i32
    %dma_wait3A_14 = tpu.memref_slice %arg5[%dma_wait3A] : memref<1280xi32, #tpu.memory_space<vmem>> -> memref<320xi32, #tpu.memory_space<vmem>>
    %dma_wait3A_15 = arith.constant 0 : i32
    %dma_wait3A_16 = arith.constant 0 : i32
    %dma_wait3A_17 = tpu.memref_slice %arg2[%dma_wait3A_15, %dma_wait3A_16] : memref<100000x128xf32, #tpu.memory_space<hbm>> -> memref<100000x128xf32, #tpu.memory_space<hbm>>
    tpu.wait_indirect_dma semaphore(%arg8 : memref<!tpu.dma_semaphore, #tpu.memory_space<semaphore_mem>>) src(%dma_wait3A_17 : memref<100000x128xf32, #tpu.memory_space<hbm>>) dst(%arg6 : memref<320x128xf32, #tpu.memory_space<vmem>>)
    %add3A_18 = arith.constant 0 : i32
    %add3A_19 = arith.addi %mul3A_2, %add3A_18 : i32
    %dma_start3A_20 = arith.constant 0 : i32
    %dma_start3A_21 = tpu.memref_slice %arg4[%add3A_19, %dma_start3A_20] : memref<40960x128xf32, #tpu.memory_space<hbm>> -> memref<320x128xf32, #tpu.memory_space<hbm>>
    %dma_start3A_22 = arith.constant 0 : i32
    %dma_start3A_23 = tpu.memref_slice %arg4[%add3A_19, %dma_start3A_22] : memref<40960x128xf32, #tpu.memory_space<hbm>> -> memref<320x128xf32, #tpu.memory_space<hbm>>
    tpu.enqueue_dma source(%arg6 : memref<320x128xf32, #tpu.memory_space<vmem>>) target(%dma_start3A_23 : memref<320x128xf32, #tpu.memory_space<hbm>>) target_semaphore(%arg10 : memref<!tpu.dma_semaphore, #tpu.memory_space<semaphore_mem>>)
    %dma_wait3A_24 = arith.constant 0 : i32
    %dma_wait3A_25 = tpu.memref_slice %arg4[%add3A_19, %dma_wait3A_24] : memref<40960x128xf32, #tpu.memory_space<hbm>> -> memref<320x128xf32, #tpu.memory_space<hbm>>
    %dma_wait3A_26 = arith.constant 0 : i32
    %dma_wait3A_27 = tpu.memref_slice %arg4[%add3A_19, %dma_wait3A_26] : memref<40960x128xf32, #tpu.memory_space<hbm>> -> memref<320x128xf32, #tpu.memory_space<hbm>>
    tpu.wait_dma2 semaphore(%arg10 : memref<!tpu.dma_semaphore, #tpu.memory_space<semaphore_mem>>) src(%arg6 : memref<320x128xf32, #tpu.memory_space<vmem>>) dst(%dma_wait3A_27 : memref<320x128xf32, #tpu.memory_space<hbm>>)
    %dma_start3A_28 = arith.constant 640 : i32
    %dma_start3A_29 = tpu.memref_slice %arg5[%dma_start3A_28] : memref<1280xi32, #tpu.memory_space<vmem>> -> memref<320xi32, #tpu.memory_space<vmem>>
    %dma_start3A_30 = arith.constant 0 : i32
    %dma_start3A_31 = arith.constant 0 : i32
    %dma_start3A_32 = tpu.memref_slice %arg2[%dma_start3A_30, %dma_start3A_31] : memref<100000x128xf32, #tpu.memory_space<hbm>> -> memref<100000x128xf32, #tpu.memory_space<hbm>>
    tpu.enqueue_indirect_dma source(%dma_start3A_32 : memref<100000x128xf32, #tpu.memory_space<hbm>>) target(%arg6 : memref<320x128xf32, #tpu.memory_space<vmem>>) offsets(%dma_start3A_29 : memref<320xi32, #tpu.memory_space<vmem>>) semaphore(%arg8 : memref<!tpu.dma_semaphore, #tpu.memory_space<semaphore_mem>>)
    %dma_wait3A_33 = arith.constant 320 : i32
    %dma_wait3A_34 = tpu.memref_slice %arg5[%dma_wait3A_33] : memref<1280xi32, #tpu.memory_space<vmem>> -> memref<320xi32, #tpu.memory_space<vmem>>
    %dma_wait3A_35 = arith.constant 0 : i32
    %dma_wait3A_36 = arith.constant 0 : i32
    %dma_wait3A_37 = tpu.memref_slice %arg2[%dma_wait3A_35, %dma_wait3A_36] : memref<100000x128xf32, #tpu.memory_space<hbm>> -> memref<100000x128xf32, #tpu.memory_space<hbm>>
    tpu.wait_indirect_dma semaphore(%arg9 : memref<!tpu.dma_semaphore, #tpu.memory_space<semaphore_mem>>) src(%dma_wait3A_37 : memref<100000x128xf32, #tpu.memory_space<hbm>>) dst(%arg7 : memref<320x128xf32, #tpu.memory_space<vmem>>)
    %add3A_38 = arith.constant 320 : i32
    %add3A_39 = arith.addi %mul3A_2, %add3A_38 : i32
    %dma_start3A_40 = arith.constant 0 : i32
    %dma_start3A_41 = tpu.memref_slice %arg4[%add3A_39, %dma_start3A_40] : memref<40960x128xf32, #tpu.memory_space<hbm>> -> memref<320x128xf32, #tpu.memory_space<hbm>>
    %dma_start3A_42 = arith.constant 0 : i32
    %dma_start3A_43 = tpu.memref_slice %arg4[%add3A_39, %dma_start3A_42] : memref<40960x128xf32, #tpu.memory_space<hbm>> -> memref<320x128xf32, #tpu.memory_space<hbm>>
    tpu.enqueue_dma source(%arg7 : memref<320x128xf32, #tpu.memory_space<vmem>>) target(%dma_start3A_43 : memref<320x128xf32, #tpu.memory_space<hbm>>) target_semaphore(%arg11 : memref<!tpu.dma_semaphore, #tpu.memory_space<semaphore_mem>>)
    %dma_wait3A_44 = arith.constant 0 : i32
    %dma_wait3A_45 = tpu.memref_slice %arg4[%add3A_39, %dma_wait3A_44] : memref<40960x128xf32, #tpu.memory_space<hbm>> -> memref<320x128xf32, #tpu.memory_space<hbm>>
    %dma_wait3A_46 = arith.constant 0 : i32
    %dma_wait3A_47 = tpu.memref_slice %arg4[%add3A_39, %dma_wait3A_46] : memref<40960x128xf32, #tpu.memory_space<hbm>> -> memref<320x128xf32, #tpu.memory_space<hbm>>
    tpu.wait_dma2 semaphore(%arg11 : memref<!tpu.dma_semaphore, #tpu.memory_space<semaphore_mem>>) src(%arg7 : memref<320x128xf32, #tpu.memory_space<vmem>>) dst(%dma_wait3A_47 : memref<320x128xf32, #tpu.memory_space<hbm>>)
    %dma_start3A_48 = arith.constant 960 : i32
    %dma_start3A_49 = tpu.memref_slice %arg5[%dma_start3A_48] : memref<1280xi32, #tpu.memory_space<vmem>> -> memref<320xi32, #tpu.memory_space<vmem>>
    %dma_start3A_50 = arith.constant 0 : i32
    %dma_start3A_51 = arith.constant 0 : i32
    %dma_start3A_52 = tpu.memref_slice %arg2[%dma_start3A_50, %dma_start3A_51] : memref<100000x128xf32, #tpu.memory_space<hbm>> -> memref<100000x128xf32, #tpu.memory_space<hbm>>
    tpu.enqueue_indirect_dma source(%dma_start3A_52 : memref<100000x128xf32, #tpu.memory_space<hbm>>) target(%arg7 : memref<320x128xf32, #tpu.memory_space<vmem>>) offsets(%dma_start3A_49 : memref<320xi32, #tpu.memory_space<vmem>>) semaphore(%arg9 : memref<!tpu.dma_semaphore, #tpu.memory_space<semaphore_mem>>)
    %dma_wait3A_53 = arith.constant 640 : i32
    %dma_wait3A_54 = tpu.memref_slice %arg5[%dma_wait3A_53] : memref<1280xi32, #tpu.memory_space<vmem>> -> memref<320xi32, #tpu.memory_space<vmem>>
    %dma_wait3A_55 = arith.constant 0 : i32
    %dma_wait3A_56 = arith.constant 0 : i32
    %dma_wait3A_57 = tpu.memref_slice %arg2[%dma_wait3A_55, %dma_wait3A_56] : memref<100000x128xf32, #tpu.memory_space<hbm>> -> memref<100000x128xf32, #tpu.memory_space<hbm>>
    tpu.wait_indirect_dma semaphore(%arg8 : memref<!tpu.dma_semaphore, #tpu.memory_space<semaphore_mem>>) src(%dma_wait3A_57 : memref<100000x128xf32, #tpu.memory_space<hbm>>) dst(%arg6 : memref<320x128xf32, #tpu.memory_space<vmem>>)
    %add3A_58 = arith.constant 640 : i32
    %add3A_59 = arith.addi %mul3A_2, %add3A_58 : i32
    %dma_start3A_60 = arith.constant 0 : i32
    %dma_start3A_61 = tpu.memref_slice %arg4[%add3A_59, %dma_start3A_60] : memref<40960x128xf32, #tpu.memory_space<hbm>> -> memref<320x128xf32, #tpu.memory_space<hbm>>
    %dma_start3A_62 = arith.constant 0 : i32
    %dma_start3A_63 = tpu.memref_slice %arg4[%add3A_59, %dma_start3A_62] : memref<40960x128xf32, #tpu.memory_space<hbm>> -> memref<320x128xf32, #tpu.memory_space<hbm>>
    tpu.enqueue_dma source(%arg6 : memref<320x128xf32, #tpu.memory_space<vmem>>) target(%dma_start3A_63 : memref<320x128xf32, #tpu.memory_space<hbm>>) target_semaphore(%arg10 : memref<!tpu.dma_semaphore, #tpu.memory_space<semaphore_mem>>)
    %dma_wait3A_64 = arith.constant 960 : i32
    %dma_wait3A_65 = tpu.memref_slice %arg5[%dma_wait3A_64] : memref<1280xi32, #tpu.memory_space<vmem>> -> memref<320xi32, #tpu.memory_space<vmem>>
    %dma_wait3A_66 = arith.constant 0 : i32
    %dma_wait3A_67 = arith.constant 0 : i32
    %dma_wait3A_68 = tpu.memref_slice %arg2[%dma_wait3A_66, %dma_wait3A_67] : memref<100000x128xf32, #tpu.memory_space<hbm>> -> memref<100000x128xf32, #tpu.memory_space<hbm>>
    tpu.wait_indirect_dma semaphore(%arg9 : memref<!tpu.dma_semaphore, #tpu.memory_space<semaphore_mem>>) src(%dma_wait3A_68 : memref<100000x128xf32, #tpu.memory_space<hbm>>) dst(%arg7 : memref<320x128xf32, #tpu.memory_space<vmem>>)
    %add3A_69 = arith.constant 960 : i32
    %add3A_70 = arith.addi %mul3A_2, %add3A_69 : i32
    %dma_start3A_71 = arith.constant 0 : i32
    %dma_start3A_72 = tpu.memref_slice %arg4[%add3A_70, %dma_start3A_71] : memref<40960x128xf32, #tpu.memory_space<hbm>> -> memref<320x128xf32, #tpu.memory_space<hbm>>
    %dma_start3A_73 = arith.constant 0 : i32
    %dma_start3A_74 = tpu.memref_slice %arg4[%add3A_70, %dma_start3A_73] : memref<40960x128xf32, #tpu.memory_space<hbm>> -> memref<320x128xf32, #tpu.memory_space<hbm>>
    tpu.enqueue_dma source(%arg7 : memref<320x128xf32, #tpu.memory_space<vmem>>) target(%dma_start3A_74 : memref<320x128xf32, #tpu.memory_space<hbm>>) target_semaphore(%arg11 : memref<!tpu.dma_semaphore, #tpu.memory_space<semaphore_mem>>)
    %dma_wait3A_75 = arith.constant 0 : i32
    %dma_wait3A_76 = tpu.memref_slice %arg4[%add3A_59, %dma_wait3A_75] : memref<40960x128xf32, #tpu.memory_space<hbm>> -> memref<320x128xf32, #tpu.memory_space<hbm>>
    %dma_wait3A_77 = arith.constant 0 : i32
    %dma_wait3A_78 = tpu.memref_slice %arg4[%add3A_59, %dma_wait3A_77] : memref<40960x128xf32, #tpu.memory_space<hbm>> -> memref<320x128xf32, #tpu.memory_space<hbm>>
    tpu.wait_dma2 semaphore(%arg10 : memref<!tpu.dma_semaphore, #tpu.memory_space<semaphore_mem>>) src(%arg6 : memref<320x128xf32, #tpu.memory_space<vmem>>) dst(%dma_wait3A_78 : memref<320x128xf32, #tpu.memory_space<hbm>>)
    %dma_wait3A_79 = arith.constant 0 : i32
    %dma_wait3A_80 = tpu.memref_slice %arg4[%add3A_70, %dma_wait3A_79] : memref<40960x128xf32, #tpu.memory_space<hbm>> -> memref<320x128xf32, #tpu.memory_space<hbm>>
    %dma_wait3A_81 = arith.constant 0 : i32
    %dma_wait3A_82 = tpu.memref_slice %arg4[%add3A_70, %dma_wait3A_81] : memref<40960x128xf32, #tpu.memory_space<hbm>> -> memref<320x128xf32, #tpu.memory_space<hbm>>
    tpu.wait_dma2 semaphore(%arg11 : memref<!tpu.dma_semaphore, #tpu.memory_space<semaphore_mem>>) src(%arg7 : memref<320x128xf32, #tpu.memory_space<vmem>>) dst(%dma_wait3A_82 : memref<320x128xf32, #tpu.memory_space<hbm>>)
    return
  }
}

#map = affine_map<(d0, d1) -> (0, 0)>
#map1 = affine_map<(d0, d1) -> (0)>
module attributes {stable_mosaic.version = 14 : i64} {
  func.func @_gather_body(%arg0: i32, %arg1: i32, %arg2: memref<100000x128xf32, #tpu.memory_space<hbm>>, %arg3: memref<40960xi32, #tpu.memory_space<hbm>>, %arg4: memref<40960x128xf32, #tpu.memory_space<hbm>>, %arg5: memref<1280xi32, #tpu.memory_space<vmem>>, %arg6: memref<320x128xf32, #tpu.memory_space<vmem>>, %arg7: memref<320x128xf32, #tpu.memory_space<vmem>>, %arg8: memref<!tpu.dma_semaphore, #tpu.memory_space<semaphore_mem>>, %arg9: memref<!tpu.dma_semaphore, #tpu.memory_space<semaphore_mem>>, %arg10: memref<!tpu.dma_semaphore, #tpu.memory_space<semaphore_mem>>, %arg11: memref<!tpu.dma_semaphore, #tpu.memory_space<semaphore_mem>>) attributes {dimension_semantics = [#tpu.dimension_semantics<core_parallel>, #tpu.dimension_semantics<subcore_parallel>], iteration_bounds = array<i64: 2, 16>, scalar_prefetch = 0 : i64, scratch_operands = 7 : i64, tpu.core_type = #tpu.core_type<sc_vector_subcore>, window_params = [{transform_indices = #map}, {transform_indices = #map1}, {transform_indices = #map}]} {
    %mul3A = arith.constant 2 : i32
    %mul3A_0 = arith.muli %arg1, %mul3A : i32
    %add3A = arith.addi %mul3A_0, %arg0 : i32
    %mul3A_1 = arith.constant 1280 : i32
    %mul3A_2 = arith.muli %add3A, %mul3A_1 : i32
    "tpu.region"() ({
      %run_scoped3A = tpu.sem_alloc : memref<!tpu.dma_semaphore, #tpu.memory_space<semaphore_mem>>
      %dma_start3A_83 = arith.constant 0 : i32
      %dma_start3A_84 = tpu.memref_slice %arg5[%dma_start3A_83] : memref<1280xi32, #tpu.memory_space<vmem>> -> memref<320xi32, #tpu.memory_space<vmem>>
      %dma_start3A_85 = tpu.memref_slice %arg3[%mul3A_2] : memref<40960xi32, #tpu.memory_space<hbm>> -> memref<320xi32, #tpu.memory_space<hbm>>
      %dma_start3A_86 = arith.constant 0 : i32
      %dma_start3A_87 = tpu.memref_slice %arg5[%dma_start3A_86] : memref<1280xi32, #tpu.memory_space<vmem>> -> memref<320xi32, #tpu.memory_space<vmem>>
      %dma_start3A_88 = tpu.memref_slice %arg3[%mul3A_2] : memref<40960xi32, #tpu.memory_space<hbm>> -> memref<320xi32, #tpu.memory_space<hbm>>
      tpu.enqueue_dma source(%dma_start3A_88 : memref<320xi32, #tpu.memory_space<hbm>>) target(%dma_start3A_87 : memref<320xi32, #tpu.memory_space<vmem>>) target_semaphore(%run_scoped3A : memref<!tpu.dma_semaphore, #tpu.memory_space<semaphore_mem>>)
      %dma_wait3A_89 = arith.constant 0 : i32
      %dma_wait3A_90 = tpu.memref_slice %arg5[%dma_wait3A_89] : memref<1280xi32, #tpu.memory_space<vmem>> -> memref<320xi32, #tpu.memory_space<vmem>>
      %dma_wait3A_91 = tpu.memref_slice %arg3[%mul3A_2] : memref<40960xi32, #tpu.memory_space<hbm>> -> memref<320xi32, #tpu.memory_space<hbm>>
      %dma_wait3A_92 = arith.constant 0 : i32
      %dma_wait3A_93 = tpu.memref_slice %arg5[%dma_wait3A_92] : memref<1280xi32, #tpu.memory_space<vmem>> -> memref<320xi32, #tpu.memory_space<vmem>>
      %dma_wait3A_94 = tpu.memref_slice %arg3[%mul3A_2] : memref<40960xi32, #tpu.memory_space<hbm>> -> memref<320xi32, #tpu.memory_space<hbm>>
      tpu.wait_dma2 semaphore(%run_scoped3A : memref<!tpu.dma_semaphore, #tpu.memory_space<semaphore_mem>>) src(%dma_wait3A_94 : memref<320xi32, #tpu.memory_space<hbm>>) dst(%dma_wait3A_93 : memref<320xi32, #tpu.memory_space<vmem>>)
      tpu.yield
    }) : () -> ()
    %dma_start3A = arith.constant 0 : i32
    %dma_start3A_3 = tpu.memref_slice %arg5[%dma_start3A] : memref<1280xi32, #tpu.memory_space<vmem>> -> memref<320xi32, #tpu.memory_space<vmem>>
    %dma_start3A_4 = arith.constant 0 : i32
    %dma_start3A_5 = arith.constant 0 : i32
    %dma_start3A_6 = tpu.memref_slice %arg2[%dma_start3A_4, %dma_start3A_5] : memref<100000x128xf32, #tpu.memory_space<hbm>> -> memref<100000x128xf32, #tpu.memory_space<hbm>>
    tpu.enqueue_indirect_dma source(%dma_start3A_6 : memref<100000x128xf32, #tpu.memory_space<hbm>>) target(%arg6 : memref<320x128xf32, #tpu.memory_space<vmem>>) offsets(%dma_start3A_3 : memref<320xi32, #tpu.memory_space<vmem>>) semaphore(%arg8 : memref<!tpu.dma_semaphore, #tpu.memory_space<semaphore_mem>>)
    %add3A_7 = arith.constant 320 : i32
    %add3A_8 = arith.addi %mul3A_2, %add3A_7 : i32
    "tpu.region"() ({
      %run_scoped3A = tpu.sem_alloc : memref<!tpu.dma_semaphore, #tpu.memory_space<semaphore_mem>>
      %dma_start3A_83 = arith.constant 320 : i32
      %dma_start3A_84 = tpu.memref_slice %arg5[%dma_start3A_83] : memref<1280xi32, #tpu.memory_space<vmem>> -> memref<960xi32, #tpu.memory_space<vmem>>
      %dma_start3A_85 = tpu.memref_slice %arg3[%add3A_8] : memref<40960xi32, #tpu.memory_space<hbm>> -> memref<960xi32, #tpu.memory_space<hbm>>
      %dma_start3A_86 = arith.constant 320 : i32
      %dma_start3A_87 = tpu.memref_slice %arg5[%dma_start3A_86] : memref<1280xi32, #tpu.memory_space<vmem>> -> memref<960xi32, #tpu.memory_space<vmem>>
      %dma_start3A_88 = tpu.memref_slice %arg3[%add3A_8] : memref<40960xi32, #tpu.memory_space<hbm>> -> memref<960xi32, #tpu.memory_space<hbm>>
      tpu.enqueue_dma source(%dma_start3A_88 : memref<960xi32, #tpu.memory_space<hbm>>) target(%dma_start3A_87 : memref<960xi32, #tpu.memory_space<vmem>>) target_semaphore(%run_scoped3A : memref<!tpu.dma_semaphore, #tpu.memory_space<semaphore_mem>>)
      %dma_wait3A_89 = arith.constant 320 : i32
      %dma_wait3A_90 = tpu.memref_slice %arg5[%dma_wait3A_89] : memref<1280xi32, #tpu.memory_space<vmem>> -> memref<960xi32, #tpu.memory_space<vmem>>
      %dma_wait3A_91 = tpu.memref_slice %arg3[%add3A_8] : memref<40960xi32, #tpu.memory_space<hbm>> -> memref<960xi32, #tpu.memory_space<hbm>>
      %dma_wait3A_92 = arith.constant 320 : i32
      %dma_wait3A_93 = tpu.memref_slice %arg5[%dma_wait3A_92] : memref<1280xi32, #tpu.memory_space<vmem>> -> memref<960xi32, #tpu.memory_space<vmem>>
      %dma_wait3A_94 = tpu.memref_slice %arg3[%add3A_8] : memref<40960xi32, #tpu.memory_space<hbm>> -> memref<960xi32, #tpu.memory_space<hbm>>
      tpu.wait_dma2 semaphore(%run_scoped3A : memref<!tpu.dma_semaphore, #tpu.memory_space<semaphore_mem>>) src(%dma_wait3A_94 : memref<960xi32, #tpu.memory_space<hbm>>) dst(%dma_wait3A_93 : memref<960xi32, #tpu.memory_space<vmem>>)
      tpu.yield
    }) : () -> ()
    %dma_start3A_9 = arith.constant 320 : i32
    %dma_start3A_10 = tpu.memref_slice %arg5[%dma_start3A_9] : memref<1280xi32, #tpu.memory_space<vmem>> -> memref<320xi32, #tpu.memory_space<vmem>>
    %dma_start3A_11 = arith.constant 0 : i32
    %dma_start3A_12 = arith.constant 0 : i32
    %dma_start3A_13 = tpu.memref_slice %arg2[%dma_start3A_11, %dma_start3A_12] : memref<100000x128xf32, #tpu.memory_space<hbm>> -> memref<100000x128xf32, #tpu.memory_space<hbm>>
    tpu.enqueue_indirect_dma source(%dma_start3A_13 : memref<100000x128xf32, #tpu.memory_space<hbm>>) target(%arg7 : memref<320x128xf32, #tpu.memory_space<vmem>>) offsets(%dma_start3A_10 : memref<320xi32, #tpu.memory_space<vmem>>) semaphore(%arg9 : memref<!tpu.dma_semaphore, #tpu.memory_space<semaphore_mem>>)
    %dma_wait3A = arith.constant 0 : i32
    %dma_wait3A_14 = tpu.memref_slice %arg5[%dma_wait3A] : memref<1280xi32, #tpu.memory_space<vmem>> -> memref<320xi32, #tpu.memory_space<vmem>>
    %dma_wait3A_15 = arith.constant 0 : i32
    %dma_wait3A_16 = arith.constant 0 : i32
    %dma_wait3A_17 = tpu.memref_slice %arg2[%dma_wait3A_15, %dma_wait3A_16] : memref<100000x128xf32, #tpu.memory_space<hbm>> -> memref<100000x128xf32, #tpu.memory_space<hbm>>
    tpu.wait_indirect_dma semaphore(%arg8 : memref<!tpu.dma_semaphore, #tpu.memory_space<semaphore_mem>>) src(%dma_wait3A_17 : memref<100000x128xf32, #tpu.memory_space<hbm>>) dst(%arg6 : memref<320x128xf32, #tpu.memory_space<vmem>>)
    %add3A_18 = arith.constant 0 : i32
    %add3A_19 = arith.addi %mul3A_2, %add3A_18 : i32
    %dma_start3A_20 = arith.constant 0 : i32
    %dma_start3A_21 = tpu.memref_slice %arg4[%add3A_19, %dma_start3A_20] : memref<40960x128xf32, #tpu.memory_space<hbm>> -> memref<320x128xf32, #tpu.memory_space<hbm>>
    %dma_start3A_22 = arith.constant 0 : i32
    %dma_start3A_23 = tpu.memref_slice %arg4[%add3A_19, %dma_start3A_22] : memref<40960x128xf32, #tpu.memory_space<hbm>> -> memref<320x128xf32, #tpu.memory_space<hbm>>
    tpu.enqueue_dma source(%arg6 : memref<320x128xf32, #tpu.memory_space<vmem>>) target(%dma_start3A_23 : memref<320x128xf32, #tpu.memory_space<hbm>>) target_semaphore(%arg10 : memref<!tpu.dma_semaphore, #tpu.memory_space<semaphore_mem>>)
    %dma_wait3A_24 = arith.constant 0 : i32
    %dma_wait3A_25 = tpu.memref_slice %arg4[%add3A_19, %dma_wait3A_24] : memref<40960x128xf32, #tpu.memory_space<hbm>> -> memref<320x128xf32, #tpu.memory_space<hbm>>
    %dma_wait3A_26 = arith.constant 0 : i32
    %dma_wait3A_27 = tpu.memref_slice %arg4[%add3A_19, %dma_wait3A_26] : memref<40960x128xf32, #tpu.memory_space<hbm>> -> memref<320x128xf32, #tpu.memory_space<hbm>>
    tpu.wait_dma2 semaphore(%arg10 : memref<!tpu.dma_semaphore, #tpu.memory_space<semaphore_mem>>) src(%arg6 : memref<320x128xf32, #tpu.memory_space<vmem>>) dst(%dma_wait3A_27 : memref<320x128xf32, #tpu.memory_space<hbm>>)
    %dma_start3A_28 = arith.constant 640 : i32
    %dma_start3A_29 = tpu.memref_slice %arg5[%dma_start3A_28] : memref<1280xi32, #tpu.memory_space<vmem>> -> memref<320xi32, #tpu.memory_space<vmem>>
    %dma_start3A_30 = arith.constant 0 : i32
    %dma_start3A_31 = arith.constant 0 : i32
    %dma_start3A_32 = tpu.memref_slice %arg2[%dma_start3A_30, %dma_start3A_31] : memref<100000x128xf32, #tpu.memory_space<hbm>> -> memref<100000x128xf32, #tpu.memory_space<hbm>>
    tpu.enqueue_indirect_dma source(%dma_start3A_32 : memref<100000x128xf32, #tpu.memory_space<hbm>>) target(%arg6 : memref<320x128xf32, #tpu.memory_space<vmem>>) offsets(%dma_start3A_29 : memref<320xi32, #tpu.memory_space<vmem>>) semaphore(%arg8 : memref<!tpu.dma_semaphore, #tpu.memory_space<semaphore_mem>>)
    %dma_wait3A_33 = arith.constant 320 : i32
    %dma_wait3A_34 = tpu.memref_slice %arg5[%dma_wait3A_33] : memref<1280xi32, #tpu.memory_space<vmem>> -> memref<320xi32, #tpu.memory_space<vmem>>
    %dma_wait3A_35 = arith.constant 0 : i32
    %dma_wait3A_36 = arith.constant 0 : i32
    %dma_wait3A_37 = tpu.memref_slice %arg2[%dma_wait3A_35, %dma_wait3A_36] : memref<100000x128xf32, #tpu.memory_space<hbm>> -> memref<100000x128xf32, #tpu.memory_space<hbm>>
    tpu.wait_indirect_dma semaphore(%arg9 : memref<!tpu.dma_semaphore, #tpu.memory_space<semaphore_mem>>) src(%dma_wait3A_37 : memref<100000x128xf32, #tpu.memory_space<hbm>>) dst(%arg7 : memref<320x128xf32, #tpu.memory_space<vmem>>)
    %add3A_38 = arith.constant 320 : i32
    %add3A_39 = arith.addi %mul3A_2, %add3A_38 : i32
    %dma_start3A_40 = arith.constant 0 : i32
    %dma_start3A_41 = tpu.memref_slice %arg4[%add3A_39, %dma_start3A_40] : memref<40960x128xf32, #tpu.memory_space<hbm>> -> memref<320x128xf32, #tpu.memory_space<hbm>>
    %dma_start3A_42 = arith.constant 0 : i32
    %dma_start3A_43 = tpu.memref_slice %arg4[%add3A_39, %dma_start3A_42] : memref<40960x128xf32, #tpu.memory_space<hbm>> -> memref<320x128xf32, #tpu.memory_space<hbm>>
    tpu.enqueue_dma source(%arg7 : memref<320x128xf32, #tpu.memory_space<vmem>>) target(%dma_start3A_43 : memref<320x128xf32, #tpu.memory_space<hbm>>) target_semaphore(%arg11 : memref<!tpu.dma_semaphore, #tpu.memory_space<semaphore_mem>>)
    %dma_wait3A_44 = arith.constant 0 : i32
    %dma_wait3A_45 = tpu.memref_slice %arg4[%add3A_39, %dma_wait3A_44] : memref<40960x128xf32, #tpu.memory_space<hbm>> -> memref<320x128xf32, #tpu.memory_space<hbm>>
    %dma_wait3A_46 = arith.constant 0 : i32
    %dma_wait3A_47 = tpu.memref_slice %arg4[%add3A_39, %dma_wait3A_46] : memref<40960x128xf32, #tpu.memory_space<hbm>> -> memref<320x128xf32, #tpu.memory_space<hbm>>
    tpu.wait_dma2 semaphore(%arg11 : memref<!tpu.dma_semaphore, #tpu.memory_space<semaphore_mem>>) src(%arg7 : memref<320x128xf32, #tpu.memory_space<vmem>>) dst(%dma_wait3A_47 : memref<320x128xf32, #tpu.memory_space<hbm>>)
    %dma_start3A_48 = arith.constant 960 : i32
    %dma_start3A_49 = tpu.memref_slice %arg5[%dma_start3A_48] : memref<1280xi32, #tpu.memory_space<vmem>> -> memref<320xi32, #tpu.memory_space<vmem>>
    %dma_start3A_50 = arith.constant 0 : i32
    %dma_start3A_51 = arith.constant 0 : i32
    %dma_start3A_52 = tpu.memref_slice %arg2[%dma_start3A_50, %dma_start3A_51] : memref<100000x128xf32, #tpu.memory_space<hbm>> -> memref<100000x128xf32, #tpu.memory_space<hbm>>
    tpu.enqueue_indirect_dma source(%dma_start3A_52 : memref<100000x128xf32, #tpu.memory_space<hbm>>) target(%arg7 : memref<320x128xf32, #tpu.memory_space<vmem>>) offsets(%dma_start3A_49 : memref<320xi32, #tpu.memory_space<vmem>>) semaphore(%arg9 : memref<!tpu.dma_semaphore, #tpu.memory_space<semaphore_mem>>)
    %dma_wait3A_53 = arith.constant 640 : i32
    %dma_wait3A_54 = tpu.memref_slice %arg5[%dma_wait3A_53] : memref<1280xi32, #tpu.memory_space<vmem>> -> memref<320xi32, #tpu.memory_space<vmem>>
    %dma_wait3A_55 = arith.constant 0 : i32
    %dma_wait3A_56 = arith.constant 0 : i32
    %dma_wait3A_57 = tpu.memref_slice %arg2[%dma_wait3A_55, %dma_wait3A_56] : memref<100000x128xf32, #tpu.memory_space<hbm>> -> memref<100000x128xf32, #tpu.memory_space<hbm>>
    tpu.wait_indirect_dma semaphore(%arg8 : memref<!tpu.dma_semaphore, #tpu.memory_space<semaphore_mem>>) src(%dma_wait3A_57 : memref<100000x128xf32, #tpu.memory_space<hbm>>) dst(%arg6 : memref<320x128xf32, #tpu.memory_space<vmem>>)
    %add3A_58 = arith.constant 640 : i32
    %add3A_59 = arith.addi %mul3A_2, %add3A_58 : i32
    %dma_start3A_60 = arith.constant 0 : i32
    %dma_start3A_61 = tpu.memref_slice %arg4[%add3A_59, %dma_start3A_60] : memref<40960x128xf32, #tpu.memory_space<hbm>> -> memref<320x128xf32, #tpu.memory_space<hbm>>
    %dma_start3A_62 = arith.constant 0 : i32
    %dma_start3A_63 = tpu.memref_slice %arg4[%add3A_59, %dma_start3A_62] : memref<40960x128xf32, #tpu.memory_space<hbm>> -> memref<320x128xf32, #tpu.memory_space<hbm>>
    tpu.enqueue_dma source(%arg6 : memref<320x128xf32, #tpu.memory_space<vmem>>) target(%dma_start3A_63 : memref<320x128xf32, #tpu.memory_space<hbm>>) target_semaphore(%arg10 : memref<!tpu.dma_semaphore, #tpu.memory_space<semaphore_mem>>)
    %dma_wait3A_64 = arith.constant 960 : i32
    %dma_wait3A_65 = tpu.memref_slice %arg5[%dma_wait3A_64] : memref<1280xi32, #tpu.memory_space<vmem>> -> memref<320xi32, #tpu.memory_space<vmem>>
    %dma_wait3A_66 = arith.constant 0 : i32
    %dma_wait3A_67 = arith.constant 0 : i32
    %dma_wait3A_68 = tpu.memref_slice %arg2[%dma_wait3A_66, %dma_wait3A_67] : memref<100000x128xf32, #tpu.memory_space<hbm>> -> memref<100000x128xf32, #tpu.memory_space<hbm>>
    tpu.wait_indirect_dma semaphore(%arg9 : memref<!tpu.dma_semaphore, #tpu.memory_space<semaphore_mem>>) src(%dma_wait3A_68 : memref<100000x128xf32, #tpu.memory_space<hbm>>) dst(%arg7 : memref<320x128xf32, #tpu.memory_space<vmem>>)
    %add3A_69 = arith.constant 960 : i32
    %add3A_70 = arith.addi %mul3A_2, %add3A_69 : i32
    %dma_start3A_71 = arith.constant 0 : i32
    %dma_start3A_72 = tpu.memref_slice %arg4[%add3A_70, %dma_start3A_71] : memref<40960x128xf32, #tpu.memory_space<hbm>> -> memref<320x128xf32, #tpu.memory_space<hbm>>
    %dma_start3A_73 = arith.constant 0 : i32
    %dma_start3A_74 = tpu.memref_slice %arg4[%add3A_70, %dma_start3A_73] : memref<40960x128xf32, #tpu.memory_space<hbm>> -> memref<320x128xf32, #tpu.memory_space<hbm>>
    tpu.enqueue_dma source(%arg7 : memref<320x128xf32, #tpu.memory_space<vmem>>) target(%dma_start3A_74 : memref<320x128xf32, #tpu.memory_space<hbm>>) target_semaphore(%arg11 : memref<!tpu.dma_semaphore, #tpu.memory_space<semaphore_mem>>)
    %dma_wait3A_75 = arith.constant 0 : i32
    %dma_wait3A_76 = tpu.memref_slice %arg4[%add3A_59, %dma_wait3A_75] : memref<40960x128xf32, #tpu.memory_space<hbm>> -> memref<320x128xf32, #tpu.memory_space<hbm>>
    %dma_wait3A_77 = arith.constant 0 : i32
    %dma_wait3A_78 = tpu.memref_slice %arg4[%add3A_59, %dma_wait3A_77] : memref<40960x128xf32, #tpu.memory_space<hbm>> -> memref<320x128xf32, #tpu.memory_space<hbm>>
    tpu.wait_dma2 semaphore(%arg10 : memref<!tpu.dma_semaphore, #tpu.memory_space<semaphore_mem>>) src(%arg6 : memref<320x128xf32, #tpu.memory_space<vmem>>) dst(%dma_wait3A_78 : memref<320x128xf32, #tpu.memory_space<hbm>>)
    %dma_wait3A_79 = arith.constant 0 : i32
    %dma_wait3A_80 = tpu.memref_slice %arg4[%add3A_70, %dma_wait3A_79] : memref<40960x128xf32, #tpu.memory_space<hbm>> -> memref<320x128xf32, #tpu.memory_space<hbm>>
    %dma_wait3A_81 = arith.constant 0 : i32
    %dma_wait3A_82 = tpu.memref_slice %arg4[%add3A_70, %dma_wait3A_81] : memref<40960x128xf32, #tpu.memory_space<hbm>> -> memref<320x128xf32, #tpu.memory_space<hbm>>
    tpu.wait_dma2 semaphore(%arg11 : memref<!tpu.dma_semaphore, #tpu.memory_space<semaphore_mem>>) src(%arg7 : memref<320x128xf32, #tpu.memory_space<vmem>>) dst(%dma_wait3A_82 : memref<320x128xf32, #tpu.memory_space<hbm>>)
    return
  }
}

#map = affine_map<(d0, d1) -> (0, 0)>
#map1 = affine_map<(d0, d1) -> (0)>
module attributes {stable_mosaic.version = 14 : i64} {
  func.func @_gather_body(%arg0: i32, %arg1: i32, %arg2: memref<100000x128xf32, #tpu.memory_space<hbm>>, %arg3: memref<40960xi32, #tpu.memory_space<hbm>>, %arg4: memref<40960x128xf32, #tpu.memory_space<hbm>>, %arg5: memref<1280xi32, #tpu.memory_space<vmem>>, %arg6: memref<320x128xf32, #tpu.memory_space<vmem>>, %arg7: memref<320x128xf32, #tpu.memory_space<vmem>>, %arg8: memref<!tpu.dma_semaphore, #tpu.memory_space<semaphore_mem>>, %arg9: memref<!tpu.dma_semaphore, #tpu.memory_space<semaphore_mem>>, %arg10: memref<!tpu.dma_semaphore, #tpu.memory_space<semaphore_mem>>, %arg11: memref<!tpu.dma_semaphore, #tpu.memory_space<semaphore_mem>>) attributes {dimension_semantics = [#tpu.dimension_semantics<core_parallel>, #tpu.dimension_semantics<subcore_parallel>], iteration_bounds = array<i64: 2, 16>, scalar_prefetch = 0 : i64, scratch_operands = 7 : i64, tpu.core_type = #tpu.core_type<sc_vector_subcore>, window_params = [{transform_indices = #map}, {transform_indices = #map1}, {transform_indices = #map}]} {
    %mul3A = arith.constant 2 : i32
    %mul3A_0 = arith.muli %arg1, %mul3A : i32
    %add3A = arith.addi %mul3A_0, %arg0 : i32
    %mul3A_1 = arith.constant 1280 : i32
    %mul3A_2 = arith.muli %add3A, %mul3A_1 : i32
    "tpu.region"() ({
      %run_scoped3A = tpu.sem_alloc : memref<!tpu.dma_semaphore, #tpu.memory_space<semaphore_mem>>
      %dma_start3A_83 = arith.constant 0 : i32
      %dma_start3A_84 = tpu.memref_slice %arg5[%dma_start3A_83] : memref<1280xi32, #tpu.memory_space<vmem>> -> memref<320xi32, #tpu.memory_space<vmem>>
      %dma_start3A_85 = tpu.memref_slice %arg3[%mul3A_2] : memref<40960xi32, #tpu.memory_space<hbm>> -> memref<320xi32, #tpu.memory_space<hbm>>
      %dma_start3A_86 = arith.constant 0 : i32
      %dma_start3A_87 = tpu.memref_slice %arg5[%dma_start3A_86] : memref<1280xi32, #tpu.memory_space<vmem>> -> memref<320xi32, #tpu.memory_space<vmem>>
      %dma_start3A_88 = tpu.memref_slice %arg3[%mul3A_2] : memref<40960xi32, #tpu.memory_space<hbm>> -> memref<320xi32, #tpu.memory_space<hbm>>
      tpu.enqueue_dma source(%dma_start3A_88 : memref<320xi32, #tpu.memory_space<hbm>>) target(%dma_start3A_87 : memref<320xi32, #tpu.memory_space<vmem>>) target_semaphore(%run_scoped3A : memref<!tpu.dma_semaphore, #tpu.memory_space<semaphore_mem>>)
      %dma_wait3A_89 = arith.constant 0 : i32
      %dma_wait3A_90 = tpu.memref_slice %arg5[%dma_wait3A_89] : memref<1280xi32, #tpu.memory_space<vmem>> -> memref<320xi32, #tpu.memory_space<vmem>>
      %dma_wait3A_91 = tpu.memref_slice %arg3[%mul3A_2] : memref<40960xi32, #tpu.memory_space<hbm>> -> memref<320xi32, #tpu.memory_space<hbm>>
      %dma_wait3A_92 = arith.constant 0 : i32
      %dma_wait3A_93 = tpu.memref_slice %arg5[%dma_wait3A_92] : memref<1280xi32, #tpu.memory_space<vmem>> -> memref<320xi32, #tpu.memory_space<vmem>>
      %dma_wait3A_94 = tpu.memref_slice %arg3[%mul3A_2] : memref<40960xi32, #tpu.memory_space<hbm>> -> memref<320xi32, #tpu.memory_space<hbm>>
      tpu.wait_dma2 semaphore(%run_scoped3A : memref<!tpu.dma_semaphore, #tpu.memory_space<semaphore_mem>>) src(%dma_wait3A_94 : memref<320xi32, #tpu.memory_space<hbm>>) dst(%dma_wait3A_93 : memref<320xi32, #tpu.memory_space<vmem>>)
      tpu.yield
    }) : () -> ()
    %dma_start3A = arith.constant 0 : i32
    %dma_start3A_3 = tpu.memref_slice %arg5[%dma_start3A] : memref<1280xi32, #tpu.memory_space<vmem>> -> memref<320xi32, #tpu.memory_space<vmem>>
    %dma_start3A_4 = arith.constant 0 : i32
    %dma_start3A_5 = arith.constant 0 : i32
    %dma_start3A_6 = tpu.memref_slice %arg2[%dma_start3A_4, %dma_start3A_5] : memref<100000x128xf32, #tpu.memory_space<hbm>> -> memref<100000x128xf32, #tpu.memory_space<hbm>>
    tpu.enqueue_indirect_dma source(%dma_start3A_6 : memref<100000x128xf32, #tpu.memory_space<hbm>>) target(%arg6 : memref<320x128xf32, #tpu.memory_space<vmem>>) offsets(%dma_start3A_3 : memref<320xi32, #tpu.memory_space<vmem>>) semaphore(%arg8 : memref<!tpu.dma_semaphore, #tpu.memory_space<semaphore_mem>>)
    %add3A_7 = arith.constant 320 : i32
    %add3A_8 = arith.addi %mul3A_2, %add3A_7 : i32
    "tpu.region"() ({
      %run_scoped3A = tpu.sem_alloc : memref<!tpu.dma_semaphore, #tpu.memory_space<semaphore_mem>>
      %dma_start3A_83 = arith.constant 320 : i32
      %dma_start3A_84 = tpu.memref_slice %arg5[%dma_start3A_83] : memref<1280xi32, #tpu.memory_space<vmem>> -> memref<960xi32, #tpu.memory_space<vmem>>
      %dma_start3A_85 = tpu.memref_slice %arg3[%add3A_8] : memref<40960xi32, #tpu.memory_space<hbm>> -> memref<960xi32, #tpu.memory_space<hbm>>
      %dma_start3A_86 = arith.constant 320 : i32
      %dma_start3A_87 = tpu.memref_slice %arg5[%dma_start3A_86] : memref<1280xi32, #tpu.memory_space<vmem>> -> memref<960xi32, #tpu.memory_space<vmem>>
      %dma_start3A_88 = tpu.memref_slice %arg3[%add3A_8] : memref<40960xi32, #tpu.memory_space<hbm>> -> memref<960xi32, #tpu.memory_space<hbm>>
      tpu.enqueue_dma source(%dma_start3A_88 : memref<960xi32, #tpu.memory_space<hbm>>) target(%dma_start3A_87 : memref<960xi32, #tpu.memory_space<vmem>>) target_semaphore(%run_scoped3A : memref<!tpu.dma_semaphore, #tpu.memory_space<semaphore_mem>>)
      %dma_wait3A_89 = arith.constant 320 : i32
      %dma_wait3A_90 = tpu.memref_slice %arg5[%dma_wait3A_89] : memref<1280xi32, #tpu.memory_space<vmem>> -> memref<960xi32, #tpu.memory_space<vmem>>
      %dma_wait3A_91 = tpu.memref_slice %arg3[%add3A_8] : memref<40960xi32, #tpu.memory_space<hbm>> -> memref<960xi32, #tpu.memory_space<hbm>>
      %dma_wait3A_92 = arith.constant 320 : i32
      %dma_wait3A_93 = tpu.memref_slice %arg5[%dma_wait3A_92] : memref<1280xi32, #tpu.memory_space<vmem>> -> memref<960xi32, #tpu.memory_space<vmem>>
      %dma_wait3A_94 = tpu.memref_slice %arg3[%add3A_8] : memref<40960xi32, #tpu.memory_space<hbm>> -> memref<960xi32, #tpu.memory_space<hbm>>
      tpu.wait_dma2 semaphore(%run_scoped3A : memref<!tpu.dma_semaphore, #tpu.memory_space<semaphore_mem>>) src(%dma_wait3A_94 : memref<960xi32, #tpu.memory_space<hbm>>) dst(%dma_wait3A_93 : memref<960xi32, #tpu.memory_space<vmem>>)
      tpu.yield
    }) : () -> ()
    %dma_start3A_9 = arith.constant 320 : i32
    %dma_start3A_10 = tpu.memref_slice %arg5[%dma_start3A_9] : memref<1280xi32, #tpu.memory_space<vmem>> -> memref<320xi32, #tpu.memory_space<vmem>>
    %dma_start3A_11 = arith.constant 0 : i32
    %dma_start3A_12 = arith.constant 0 : i32
    %dma_start3A_13 = tpu.memref_slice %arg2[%dma_start3A_11, %dma_start3A_12] : memref<100000x128xf32, #tpu.memory_space<hbm>> -> memref<100000x128xf32, #tpu.memory_space<hbm>>
    tpu.enqueue_indirect_dma source(%dma_start3A_13 : memref<100000x128xf32, #tpu.memory_space<hbm>>) target(%arg7 : memref<320x128xf32, #tpu.memory_space<vmem>>) offsets(%dma_start3A_10 : memref<320xi32, #tpu.memory_space<vmem>>) semaphore(%arg9 : memref<!tpu.dma_semaphore, #tpu.memory_space<semaphore_mem>>)
    %dma_wait3A = arith.constant 0 : i32
    %dma_wait3A_14 = tpu.memref_slice %arg5[%dma_wait3A] : memref<1280xi32, #tpu.memory_space<vmem>> -> memref<320xi32, #tpu.memory_space<vmem>>
    %dma_wait3A_15 = arith.constant 0 : i32
    %dma_wait3A_16 = arith.constant 0 : i32
    %dma_wait3A_17 = tpu.memref_slice %arg2[%dma_wait3A_15, %dma_wait3A_16] : memref<100000x128xf32, #tpu.memory_space<hbm>> -> memref<100000x128xf32, #tpu.memory_space<hbm>>
    tpu.wait_indirect_dma semaphore(%arg8 : memref<!tpu.dma_semaphore, #tpu.memory_space<semaphore_mem>>) src(%dma_wait3A_17 : memref<100000x128xf32, #tpu.memory_space<hbm>>) dst(%arg6 : memref<320x128xf32, #tpu.memory_space<vmem>>)
    %add3A_18 = arith.constant 0 : i32
    %add3A_19 = arith.addi %mul3A_2, %add3A_18 : i32
    %dma_start3A_20 = arith.constant 0 : i32
    %dma_start3A_21 = tpu.memref_slice %arg4[%add3A_19, %dma_start3A_20] : memref<40960x128xf32, #tpu.memory_space<hbm>> -> memref<320x128xf32, #tpu.memory_space<hbm>>
    %dma_start3A_22 = arith.constant 0 : i32
    %dma_start3A_23 = tpu.memref_slice %arg4[%add3A_19, %dma_start3A_22] : memref<40960x128xf32, #tpu.memory_space<hbm>> -> memref<320x128xf32, #tpu.memory_space<hbm>>
    tpu.enqueue_dma source(%arg6 : memref<320x128xf32, #tpu.memory_space<vmem>>) target(%dma_start3A_23 : memref<320x128xf32, #tpu.memory_space<hbm>>) target_semaphore(%arg10 : memref<!tpu.dma_semaphore, #tpu.memory_space<semaphore_mem>>)
    %dma_wait3A_24 = arith.constant 0 : i32
    %dma_wait3A_25 = tpu.memref_slice %arg4[%add3A_19, %dma_wait3A_24] : memref<40960x128xf32, #tpu.memory_space<hbm>> -> memref<320x128xf32, #tpu.memory_space<hbm>>
    %dma_wait3A_26 = arith.constant 0 : i32
    %dma_wait3A_27 = tpu.memref_slice %arg4[%add3A_19, %dma_wait3A_26] : memref<40960x128xf32, #tpu.memory_space<hbm>> -> memref<320x128xf32, #tpu.memory_space<hbm>>
    tpu.wait_dma2 semaphore(%arg10 : memref<!tpu.dma_semaphore, #tpu.memory_space<semaphore_mem>>) src(%arg6 : memref<320x128xf32, #tpu.memory_space<vmem>>) dst(%dma_wait3A_27 : memref<320x128xf32, #tpu.memory_space<hbm>>)
    %dma_start3A_28 = arith.constant 640 : i32
    %dma_start3A_29 = tpu.memref_slice %arg5[%dma_start3A_28] : memref<1280xi32, #tpu.memory_space<vmem>> -> memref<320xi32, #tpu.memory_space<vmem>>
    %dma_start3A_30 = arith.constant 0 : i32
    %dma_start3A_31 = arith.constant 0 : i32
    %dma_start3A_32 = tpu.memref_slice %arg2[%dma_start3A_30, %dma_start3A_31] : memref<100000x128xf32, #tpu.memory_space<hbm>> -> memref<100000x128xf32, #tpu.memory_space<hbm>>
    tpu.enqueue_indirect_dma source(%dma_start3A_32 : memref<100000x128xf32, #tpu.memory_space<hbm>>) target(%arg6 : memref<320x128xf32, #tpu.memory_space<vmem>>) offsets(%dma_start3A_29 : memref<320xi32, #tpu.memory_space<vmem>>) semaphore(%arg8 : memref<!tpu.dma_semaphore, #tpu.memory_space<semaphore_mem>>)
    %dma_wait3A_33 = arith.constant 320 : i32
    %dma_wait3A_34 = tpu.memref_slice %arg5[%dma_wait3A_33] : memref<1280xi32, #tpu.memory_space<vmem>> -> memref<320xi32, #tpu.memory_space<vmem>>
    %dma_wait3A_35 = arith.constant 0 : i32
    %dma_wait3A_36 = arith.constant 0 : i32
    %dma_wait3A_37 = tpu.memref_slice %arg2[%dma_wait3A_35, %dma_wait3A_36] : memref<100000x128xf32, #tpu.memory_space<hbm>> -> memref<100000x128xf32, #tpu.memory_space<hbm>>
    tpu.wait_indirect_dma semaphore(%arg9 : memref<!tpu.dma_semaphore, #tpu.memory_space<semaphore_mem>>) src(%dma_wait3A_37 : memref<100000x128xf32, #tpu.memory_space<hbm>>) dst(%arg7 : memref<320x128xf32, #tpu.memory_space<vmem>>)
    %add3A_38 = arith.constant 320 : i32
    %add3A_39 = arith.addi %mul3A_2, %add3A_38 : i32
    %dma_start3A_40 = arith.constant 0 : i32
    %dma_start3A_41 = tpu.memref_slice %arg4[%add3A_39, %dma_start3A_40] : memref<40960x128xf32, #tpu.memory_space<hbm>> -> memref<320x128xf32, #tpu.memory_space<hbm>>
    %dma_start3A_42 = arith.constant 0 : i32
    %dma_start3A_43 = tpu.memref_slice %arg4[%add3A_39, %dma_start3A_42] : memref<40960x128xf32, #tpu.memory_space<hbm>> -> memref<320x128xf32, #tpu.memory_space<hbm>>
    tpu.enqueue_dma source(%arg7 : memref<320x128xf32, #tpu.memory_space<vmem>>) target(%dma_start3A_43 : memref<320x128xf32, #tpu.memory_space<hbm>>) target_semaphore(%arg11 : memref<!tpu.dma_semaphore, #tpu.memory_space<semaphore_mem>>)
    %dma_wait3A_44 = arith.constant 0 : i32
    %dma_wait3A_45 = tpu.memref_slice %arg4[%add3A_39, %dma_wait3A_44] : memref<40960x128xf32, #tpu.memory_space<hbm>> -> memref<320x128xf32, #tpu.memory_space<hbm>>
    %dma_wait3A_46 = arith.constant 0 : i32
    %dma_wait3A_47 = tpu.memref_slice %arg4[%add3A_39, %dma_wait3A_46] : memref<40960x128xf32, #tpu.memory_space<hbm>> -> memref<320x128xf32, #tpu.memory_space<hbm>>
    tpu.wait_dma2 semaphore(%arg11 : memref<!tpu.dma_semaphore, #tpu.memory_space<semaphore_mem>>) src(%arg7 : memref<320x128xf32, #tpu.memory_space<vmem>>) dst(%dma_wait3A_47 : memref<320x128xf32, #tpu.memory_space<hbm>>)
    %dma_start3A_48 = arith.constant 960 : i32
    %dma_start3A_49 = tpu.memref_slice %arg5[%dma_start3A_48] : memref<1280xi32, #tpu.memory_space<vmem>> -> memref<320xi32, #tpu.memory_space<vmem>>
    %dma_start3A_50 = arith.constant 0 : i32
    %dma_start3A_51 = arith.constant 0 : i32
    %dma_start3A_52 = tpu.memref_slice %arg2[%dma_start3A_50, %dma_start3A_51] : memref<100000x128xf32, #tpu.memory_space<hbm>> -> memref<100000x128xf32, #tpu.memory_space<hbm>>
    tpu.enqueue_indirect_dma source(%dma_start3A_52 : memref<100000x128xf32, #tpu.memory_space<hbm>>) target(%arg7 : memref<320x128xf32, #tpu.memory_space<vmem>>) offsets(%dma_start3A_49 : memref<320xi32, #tpu.memory_space<vmem>>) semaphore(%arg9 : memref<!tpu.dma_semaphore, #tpu.memory_space<semaphore_mem>>)
    %dma_wait3A_53 = arith.constant 640 : i32
    %dma_wait3A_54 = tpu.memref_slice %arg5[%dma_wait3A_53] : memref<1280xi32, #tpu.memory_space<vmem>> -> memref<320xi32, #tpu.memory_space<vmem>>
    %dma_wait3A_55 = arith.constant 0 : i32
    %dma_wait3A_56 = arith.constant 0 : i32
    %dma_wait3A_57 = tpu.memref_slice %arg2[%dma_wait3A_55, %dma_wait3A_56] : memref<100000x128xf32, #tpu.memory_space<hbm>> -> memref<100000x128xf32, #tpu.memory_space<hbm>>
    tpu.wait_indirect_dma semaphore(%arg8 : memref<!tpu.dma_semaphore, #tpu.memory_space<semaphore_mem>>) src(%dma_wait3A_57 : memref<100000x128xf32, #tpu.memory_space<hbm>>) dst(%arg6 : memref<320x128xf32, #tpu.memory_space<vmem>>)
    %add3A_58 = arith.constant 640 : i32
    %add3A_59 = arith.addi %mul3A_2, %add3A_58 : i32
    %dma_start3A_60 = arith.constant 0 : i32
    %dma_start3A_61 = tpu.memref_slice %arg4[%add3A_59, %dma_start3A_60] : memref<40960x128xf32, #tpu.memory_space<hbm>> -> memref<320x128xf32, #tpu.memory_space<hbm>>
    %dma_start3A_62 = arith.constant 0 : i32
    %dma_start3A_63 = tpu.memref_slice %arg4[%add3A_59, %dma_start3A_62] : memref<40960x128xf32, #tpu.memory_space<hbm>> -> memref<320x128xf32, #tpu.memory_space<hbm>>
    tpu.enqueue_dma source(%arg6 : memref<320x128xf32, #tpu.memory_space<vmem>>) target(%dma_start3A_63 : memref<320x128xf32, #tpu.memory_space<hbm>>) target_semaphore(%arg10 : memref<!tpu.dma_semaphore, #tpu.memory_space<semaphore_mem>>)
    %dma_wait3A_64 = arith.constant 960 : i32
    %dma_wait3A_65 = tpu.memref_slice %arg5[%dma_wait3A_64] : memref<1280xi32, #tpu.memory_space<vmem>> -> memref<320xi32, #tpu.memory_space<vmem>>
    %dma_wait3A_66 = arith.constant 0 : i32
    %dma_wait3A_67 = arith.constant 0 : i32
    %dma_wait3A_68 = tpu.memref_slice %arg2[%dma_wait3A_66, %dma_wait3A_67] : memref<100000x128xf32, #tpu.memory_space<hbm>> -> memref<100000x128xf32, #tpu.memory_space<hbm>>
    tpu.wait_indirect_dma semaphore(%arg9 : memref<!tpu.dma_semaphore, #tpu.memory_space<semaphore_mem>>) src(%dma_wait3A_68 : memref<100000x128xf32, #tpu.memory_space<hbm>>) dst(%arg7 : memref<320x128xf32, #tpu.memory_space<vmem>>)
    %add3A_69 = arith.constant 960 : i32
    %add3A_70 = arith.addi %mul3A_2, %add3A_69 : i32
    %dma_start3A_71 = arith.constant 0 : i32
    %dma_start3A_72 = tpu.memref_slice %arg4[%add3A_70, %dma_start3A_71] : memref<40960x128xf32, #tpu.memory_space<hbm>> -> memref<320x128xf32, #tpu.memory_space<hbm>>
    %dma_start3A_73 = arith.constant 0 : i32
    %dma_start3A_74 = tpu.memref_slice %arg4[%add3A_70, %dma_start3A_73] : memref<40960x128xf32, #tpu.memory_space<hbm>> -> memref<320x128xf32, #tpu.memory_space<hbm>>
    tpu.enqueue_dma source(%arg7 : memref<320x128xf32, #tpu.memory_space<vmem>>) target(%dma_start3A_74 : memref<320x128xf32, #tpu.memory_space<hbm>>) target_semaphore(%arg11 : memref<!tpu.dma_semaphore, #tpu.memory_space<semaphore_mem>>)
    %dma_wait3A_75 = arith.constant 0 : i32
    %dma_wait3A_76 = tpu.memref_slice %arg4[%add3A_59, %dma_wait3A_75] : memref<40960x128xf32, #tpu.memory_space<hbm>> -> memref<320x128xf32, #tpu.memory_space<hbm>>
    %dma_wait3A_77 = arith.constant 0 : i32
    %dma_wait3A_78 = tpu.memref_slice %arg4[%add3A_59, %dma_wait3A_77] : memref<40960x128xf32, #tpu.memory_space<hbm>> -> memref<320x128xf32, #tpu.memory_space<hbm>>
    tpu.wait_dma2 semaphore(%arg10 : memref<!tpu.dma_semaphore, #tpu.memory_space<semaphore_mem>>) src(%arg6 : memref<320x128xf32, #tpu.memory_space<vmem>>) dst(%dma_wait3A_78 : memref<320x128xf32, #tpu.memory_space<hbm>>)
    %dma_wait3A_79 = arith.constant 0 : i32
    %dma_wait3A_80 = tpu.memref_slice %arg4[%add3A_70, %dma_wait3A_79] : memref<40960x128xf32, #tpu.memory_space<hbm>> -> memref<320x128xf32, #tpu.memory_space<hbm>>
    %dma_wait3A_81 = arith.constant 0 : i32
    %dma_wait3A_82 = tpu.memref_slice %arg4[%add3A_70, %dma_wait3A_81] : memref<40960x128xf32, #tpu.memory_space<hbm>> -> memref<320x128xf32, #tpu.memory_space<hbm>>
    tpu.wait_dma2 semaphore(%arg11 : memref<!tpu.dma_semaphore, #tpu.memory_space<semaphore_mem>>) src(%arg7 : memref<320x128xf32, #tpu.memory_space<vmem>>) dst(%dma_wait3A_82 : memref<320x128xf32, #tpu.memory_space<hbm>>)
    return
  }
}

module attributes {stable_mosaic.version = 14 : i64} {
  func.func @_mlp_body(%arg0: i32, %arg1: memref<10x2048x128xf32, #tpu.memory_space<vmem>>, %arg2: memref<1280x1024xbf16, #tpu.memory_space<vmem>>, %arg3: memref<1x1024xbf16, #tpu.memory_space<vmem>>, %arg4: memref<1024x128xbf16, #tpu.memory_space<vmem>>, %arg5: memref<1x1xf32, #tpu.memory_space<vmem>>, %arg6: memref<2048xf32, #tpu.memory_space<vmem>>) attributes {dimension_semantics = [#tpu.dimension_semantics<parallel>], iteration_bounds = array<i64: 2>, scalar_prefetch = 0 : i64, scratch_operands = 0 : i64, tpu.core_type = #tpu.core_type<tc>, window_params = [{transform_indices = @transform_0, window_bounds = array<i64: 10, 2048, 128>}, {pipeline_mode = #tpu.pipeline_mode<synchronous>, transform_indices = @transform_1, window_bounds = array<i64: 1280, 1024>}, {pipeline_mode = #tpu.pipeline_mode<synchronous>, transform_indices = @transform_2, window_bounds = array<i64: 1, 1024>}, {pipeline_mode = #tpu.pipeline_mode<synchronous>, transform_indices = @transform_3, window_bounds = array<i64: 1024, 128>}, {pipeline_mode = #tpu.pipeline_mode<synchronous>, transform_indices = @transform_4, window_bounds = array<i64: 1, 1>}, {transform_indices = @transform_5, window_bounds = array<i64: 2048>}]} {
    %get3A = arith.constant 0 : index
    %get3A_0 = arith.constant 0 : index
    %get3A_1 = arith.constant 0 : index
    %get3A_2 = vector.load %arg1[%get3A, %get3A_0, %get3A_1] : memref<10x2048x128xf32, #tpu.memory_space<vmem>>, vector<1x2048x128xf32>
    %get3A_3 = vector.shape_cast %get3A_2 : vector<1x2048x128xf32> to vector<2048x128xf32>
    %get3A_4 = arith.constant 1 : index
    %get3A_5 = arith.constant 0 : index
    %get3A_6 = arith.constant 0 : index
    %get3A_7 = vector.load %arg1[%get3A_4, %get3A_5, %get3A_6] : memref<10x2048x128xf32, #tpu.memory_space<vmem>>, vector<1x2048x128xf32>
    %get3A_8 = vector.shape_cast %get3A_7 : vector<1x2048x128xf32> to vector<2048x128xf32>
    %get3A_9 = arith.constant 2 : index
    %get3A_10 = arith.constant 0 : index
    %get3A_11 = arith.constant 0 : index
    %get3A_12 = vector.load %arg1[%get3A_9, %get3A_10, %get3A_11] : memref<10x2048x128xf32, #tpu.memory_space<vmem>>, vector<1x2048x128xf32>
    %get3A_13 = vector.shape_cast %get3A_12 : vector<1x2048x128xf32> to vector<2048x128xf32>
    %get3A_14 = arith.constant 3 : index
    %get3A_15 = arith.constant 0 : index
    %get3A_16 = arith.constant 0 : index
    %get3A_17 = vector.load %arg1[%get3A_14, %get3A_15, %get3A_16] : memref<10x2048x128xf32, #tpu.memory_space<vmem>>, vector<1x2048x128xf32>
    %get3A_18 = vector.shape_cast %get3A_17 : vector<1x2048x128xf32> to vector<2048x128xf32>
    %get3A_19 = arith.constant 4 : index
    %get3A_20 = arith.constant 0 : index
    %get3A_21 = arith.constant 0 : index
    %get3A_22 = vector.load %arg1[%get3A_19, %get3A_20, %get3A_21] : memref<10x2048x128xf32, #tpu.memory_space<vmem>>, vector<1x2048x128xf32>
    %get3A_23 = vector.shape_cast %get3A_22 : vector<1x2048x128xf32> to vector<2048x128xf32>
    %get3A_24 = arith.constant 5 : index
    %get3A_25 = arith.constant 0 : index
    %get3A_26 = arith.constant 0 : index
    %get3A_27 = vector.load %arg1[%get3A_24, %get3A_25, %get3A_26] : memref<10x2048x128xf32, #tpu.memory_space<vmem>>, vector<1x2048x128xf32>
    %get3A_28 = vector.shape_cast %get3A_27 : vector<1x2048x128xf32> to vector<2048x128xf32>
    %get3A_29 = arith.constant 6 : index
    %get3A_30 = arith.constant 0 : index
    %get3A_31 = arith.constant 0 : index
    %get3A_32 = vector.load %arg1[%get3A_29, %get3A_30, %get3A_31] : memref<10x2048x128xf32, #tpu.memory_space<vmem>>, vector<1x2048x128xf32>
    %get3A_33 = vector.shape_cast %get3A_32 : vector<1x2048x128xf32> to vector<2048x128xf32>
    %get3A_34 = arith.constant 7 : index
    %get3A_35 = arith.constant 0 : index
    %get3A_36 = arith.constant 0 : index
    %get3A_37 = vector.load %arg1[%get3A_34, %get3A_35, %get3A_36] : memref<10x2048x128xf32, #tpu.memory_space<vmem>>, vector<1x2048x128xf32>
    %get3A_38 = vector.shape_cast %get3A_37 : vector<1x2048x128xf32> to vector<2048x128xf32>
    %get3A_39 = arith.constant 8 : index
    %get3A_40 = arith.constant 0 : index
    %get3A_41 = arith.constant 0 : index
    %get3A_42 = vector.load %arg1[%get3A_39, %get3A_40, %get3A_41] : memref<10x2048x128xf32, #tpu.memory_space<vmem>>, vector<1x2048x128xf32>
    %get3A_43 = vector.shape_cast %get3A_42 : vector<1x2048x128xf32> to vector<2048x128xf32>
    %get3A_44 = arith.constant 9 : index
    %get3A_45 = arith.constant 0 : index
    %get3A_46 = arith.constant 0 : index
    %get3A_47 = vector.load %arg1[%get3A_44, %get3A_45, %get3A_46] : memref<10x2048x128xf32, #tpu.memory_space<vmem>>, vector<1x2048x128xf32>
    %get3A_48 = vector.shape_cast %get3A_47 : vector<1x2048x128xf32> to vector<2048x128xf32>
    %concatenate3A = tpu.concatenate %get3A_3, %get3A_8, %get3A_13, %get3A_18, %get3A_23, %get3A_28, %get3A_33, %get3A_38, %get3A_43, %get3A_48 in 1 : vector<2048x128xf32>, vector<2048x128xf32>, vector<2048x128xf32>, vector<2048x128xf32>, vector<2048x128xf32>, vector<2048x128xf32>, vector<2048x128xf32>, vector<2048x128xf32>, vector<2048x128xf32>, vector<2048x128xf32> -> vector<2048x1280xf32>
    %convert_element_type3A = arith.truncf %concatenate3A : vector<2048x1280xf32> to vector<2048x1280xbf16>
    %get3A_49 = arith.constant 0 : index
    %get3A_50 = arith.constant 0 : index
    %get3A_51 = vector.load %arg2[%get3A_49, %get3A_50] : memref<1280x1024xbf16, #tpu.memory_space<vmem>>, vector<1280x1024xbf16>
    %dot_general3A = arith.constant dense<0.000000e+00> : vector<2048x1024xf32>
    %dot_general3A_52 = tpu.matmul %convert_element_type3A, %get3A_51, %dot_general3A {dimension_numbers = #tpu.dot_dimension_numbers<[1], [0], [0], [1], [0, 0, 1, 1], [], []>, transpose_lhs_hint = false} : vector<2048x1280xbf16>, vector<1280x1024xbf16>, vector<2048x1024xf32> -> vector<2048x1024xf32>
    %convert_element_type3A_53 = arith.truncf %dot_general3A_52 : vector<2048x1024xf32> to vector<2048x1024xbf16>
    %get3A_54 = arith.constant 0 : index
    %get3A_55 = arith.constant 0 : index
    %get3A_56 = vector.load %arg3[%get3A_54, %get3A_55] : memref<1x1024xbf16, #tpu.memory_space<vmem>>, vector<1x1024xbf16>
    %add3A = vector.broadcast %get3A_56 : vector<1x1024xbf16> to vector<2048x1024xbf16>
    %add3A_57 = arith.addf %convert_element_type3A_53, %add3A : vector<2048x1024xbf16>
    %max3A = arith.constant 0.000000e+00 : bf16
    %max3A_58 = vector.broadcast %max3A : bf16 to vector<2048x1024xbf16>
    %max3A_59 = arith.maximumf %add3A_57, %max3A_58 : vector<2048x1024xbf16>
    %get3A_60 = arith.constant 0 : index
    %get3A_61 = arith.constant 0 : index
    %get3A_62 = vector.load %arg4[%get3A_60, %get3A_61] : memref<1024x128xbf16, #tpu.memory_space<vmem>>, vector<1024x128xbf16>
    %dot_general3A_63 = arith.constant dense<0.000000e+00> : vector<2048x128xf32>
    %dot_general3A_64 = tpu.matmul %max3A_59, %get3A_62, %dot_general3A_63 {dimension_numbers = #tpu.dot_dimension_numbers<[1], [0], [0], [1], [0, 0, 1, 1], [], []>, transpose_lhs_hint = false} : vector<2048x1024xbf16>, vector<1024x128xbf16>, vector<2048x128xf32> -> vector<2048x128xf32>
    %slice3A = vector.extract_strided_slice %dot_general3A_64 {offsets = [0, 0], sizes = [2048, 1], strides = [1, 1]} : vector<2048x128xf32> to vector<2048x1xf32>
    %squeeze3A = vector.shape_cast %slice3A : vector<2048x1xf32> to vector<2048xf32>
    %get3A_65 = arith.constant 0 : index
    %get3A_66 = arith.constant 0 : index
    %get3A_67 = vector.load %arg5[%get3A_65, %get3A_66] : memref<1x1xf32, #tpu.memory_space<vmem>>, vector<1x1xf32>
    %get3A_68 = vector.extract %get3A_67[0, 0] : f32 from vector<1x1xf32>
    %add3A_69 = vector.broadcast %get3A_68 : f32 to vector<2048xf32>
    %add3A_70 = arith.addf %squeeze3A, %add3A_69 : vector<2048xf32>
    %logistic3A = arith.negf %add3A_70 : vector<2048xf32>
    %logistic3A_71 = math.exp %logistic3A : vector<2048xf32>
    %logistic3A_72 = arith.constant 1.000000e+00 : f32
    %logistic3A_73 = vector.broadcast %logistic3A_72 : f32 to vector<2048xf32>
    %logistic3A_74 = arith.addf %logistic3A_73, %logistic3A_71 : vector<2048xf32>
    %logistic3A_75 = arith.divf %logistic3A_73, %logistic3A_74 : vector<2048xf32>
    %swap3A = arith.constant 0 : index
    %swap3A_76 = vector.load %arg6[%swap3A] : memref<2048xf32, #tpu.memory_space<vmem>>, vector<2048xf32>
    tpu.vector_store %arg6[%swap3A], %logistic3A_75 {strides = array<i32>} : memref<2048xf32, #tpu.memory_space<vmem>>, vector<2048xf32>,
    return
  }
  func.func @transform_0(%arg0: i32) -> (i32, i32, i32) {
    %c0_i32 = arith.constant 0 : i32
    %c0_i32_0 = arith.constant 0 : i32
    %c0_i32_1 = arith.constant 0 : i32
    return %c0_i32, %arg0, %c0_i32_0 : i32, i32, i32
  }
  func.func @transform_1(%arg0: i32) -> (i32, i32) {
    %c0_i32 = arith.constant 0 : i32
    %c0_i32_0 = arith.constant 0 : i32
    %c0_i32_1 = arith.constant 0 : i32
    return %c0_i32, %c0_i32_0 : i32, i32
  }
  func.func @transform_2(%arg0: i32) -> (i32, i32) {
    %c0_i32 = arith.constant 0 : i32
    %c0_i32_0 = arith.constant 0 : i32
    %c0_i32_1 = arith.constant 0 : i32
    return %c0_i32, %c0_i32_0 : i32, i32
  }
  func.func @transform_3(%arg0: i32) -> (i32, i32) {
    %c0_i32 = arith.constant 0 : i32
    %c0_i32_0 = arith.constant 0 : i32
    %c0_i32_1 = arith.constant 0 : i32
    return %c0_i32, %c0_i32_0 : i32, i32
  }
  func.func @transform_4(%arg0: i32) -> (i32, i32) {
    %c0_i32 = arith.constant 0 : i32
    %c0_i32_0 = arith.constant 0 : i32
    %c0_i32_1 = arith.constant 0 : i32
    return %c0_i32, %c0_i32_0 : i32, i32
  }
  func.func @transform_5(%arg0: i32) -> i32 {
    %c0_i32 = arith.constant 0 : i32
    return %arg0 : i32
  }
}

</mosaic_0001>

<sc_bundles>
// kernel: kernel.10.cloned.1.call-start
scs
__scs_entry_jumppad:
0x0: {  	(pc) =	sbr.rel $0x88, $3  }
0x1: {  	(tag) =	ssettag $0x0;
	lr =	simm.s32 $0x1  }
0x2: {  	[smem:$0x3F9B] =	sst lr;
	_ =	strace $0xD0000000  }
0x3: {  	_ = 	snop  }
0x4: {  	_ = 	snop  }
0x5: {  	_ = 	snop  }
0x6: {  	_ = 	snop  }
0x7: {  	_ = 	snop  }
__scs_overlays_trampoline_lowered:
0x8: {  	[smem:$0x3FAA] =	sst s0  }
0x9: {  	[smem:$0x3FAB] =	sst s1  }
0xa: {  	[smem:$0x3FAC] =	sst s2  }
0xb: {  	[smem:$0x3FAD] =	sst s3  }
0xc: {  	[smem:$0x3FAE] =	sst s4  }
0xd: {  	[smem:$0x3FAF] =	sst s5  }
0xe: {  	[smem:$0x3FB0] =	sst s6  }
0xf: {  	[smem:$0x3FB1] =	sst s7  }
0x10: {  	[smem:$0x3FB2] =	sst s8  }
0x11: {  	[smem:$0x3FB3] =	sst s9;
	s0 =	simm.s32 @!p0 $0x0  }
0x12: {  	s1 =	sld [smem:$0x3F99];
	s0 =	simm.s32 @p0 $0x1  }
0x13: {  	[smem:$0x3FB4] =	sst s0;
	s0 =	simm.s32 @!p1 $0x0  }
0x14: {  	s2 =	sld [smem:$0x3F98];
	s0 =	simm.s32 @p1 $0x1  }
0x15: {  	[smem:$0x3FB5] =	sst s0;
	s0 =	simm.s32 @!p2 $0x0  }
0x16: {  	s3 =	sld [smem:$0x3FDB];
	s0 =	simm.s32 @p2 $0x1  }
0x17: {  	s4 =	simm.s32 $0x1BF5;
	[smem:$0x3FB7] =	sst s0  }
0x18: {  	s0 =	sld [smem:$0x3F9A];
	_ =	swait.ge [sflag:s4], $0x0  }
0x19: {  	s7 =	sld [smem:$0x3F9B]  }
0x1a: {  	s8 =	sadd.s32 $0xFFFFE003, lr  }
0x1b: {  	s9 =	sadd.s32 $0xFFFFFEF7, lr;
	s5 =	simm.s32 $0xFFFFFFFF;
	p2 =	slt.u32 s8, $0xFFFFF086  }
0x1c: {  	p1 =	slt.u32 s9, $0xF7A;
	s5 =	simm.s32 @!p2 $0x0  }
0x1d: {  	s5 =	simm.s32 @p1 $0x1;
	p0 =	seq.s32 s7, s2  }
0x1e: {  	s7 =	smul.u32 @!p0 $0xF7A, s2;
	p2 =	seq.s32 @!p0 s5, $0x0  }
0x1f: {  	s9 =	smul.u32 $0xF7A, s1;
	s8 =	simm.s32 @!p0 $0x1BF5;
	p2 =	por !p2, p0  }
0x20: {  	[sflag:s8] =	ssyncset.s32 @!p0 $0xFFFFF086;
	s6 =	sadd.s32 @!p0 s3, s7;
	s7 =	simm.s32 @!p0 $0x108  }
0x21: {  	s3 =	sadd.s32 s3, s9;
	s6 =	sadd.s32 @!p0 $0x88, s6;
	s7 =	simm.s32 @p2 $0x1082  }
0x22: {  	[simem:s7], [sflag:s8] =	dma.local @!p0 [hbm:s6], $0xF7A  }
0x23: {  	s9 =	sor.u32 $0xD0000000, s2;
	s6 =	simm.s32 $0x108;
	_ =	swait.ge @!p0 [sflag:s8], $0x0  }
0x24: {  	s3 =	sadd.s32 $0x88, s3;
	s6 =	simm.s32 @!p1 $0x1082;
	[sflag:s4] =	ssyncset.s32 $0xFFFFF086  }
0x25: {  	[simem:s6], [sflag:s4] =	dma.local [hbm:s3], $0xF7A  }
0x26: {  	[smem:$0x3F9B] =	sst s1;
	(tag) =	ssettag s2;
	_ =	strace s9  }
0x27: {  	s1 =	sld [smem:$0x3FAB]  }
0x28: {  	s2 =	sld [smem:$0x3FAC]  }
0x29: {  	s4 =	sld [smem:$0x3FAE]  }
0x2a: {  	p0 =	seq.s32 s5, $0x0;
	s5 =	sld [smem:$0x3FAF]  }
0x2b: {  	s6 =	sld [smem:$0x3FB0]  }
0x2c: {  	s7 =	sld [smem:$0x3FB1]  }
0x2d: {  	s3 =	simm.s32 $0x108;
	s8 =	sld [smem:$0x3FB2]  }
0x2e: {  	s3 =	simm.s32 @!p0 $0x1082;
	s9 =	sld [smem:$0x3FB3]  }
0x2f: {  	lr =	sadd.s32 s0, s3;
	s0 =	sld [smem:$0x3FAA]  }
0x30: {  	s3 =	sld [smem:$0x3FAD]  }
0x31: {  	[smem:$0x3FB6] =	sst s10  }
0x32: {  	s10 =	sld [smem:$0x3FB4];
	_ =	sdelay $0x3  }
0x33: {  	p0 =	seq.s32 s10, $0x1;
	s10 =	sld [smem:$0x3FB6];
	_ =	sdelay $0x3  }
0x34: {  	[smem:$0x3FB6] =	sst s10  }
0x35: {  	s10 =	sld [smem:$0x3FB5];
	_ =	sdelay $0x3  }
0x36: {  	p1 =	seq.s32 s10, $0x1;
	s10 =	sld [smem:$0x3FB6];
	_ =	sdelay $0x3  }
0x37: {  	[smem:$0x3FB6] =	sst s10  }
0x38: {  	s10 =	sld [smem:$0x3FB7]  }
0x39: {  	_ = 	snop;
	(pc) =	sbr.ind lr, $3  }
0x3a: {  	_ = 	snop  }
0x3b: {  	_ = 	snop  }
0x3c: {  	p2 =	seq.s32 s10, $0x1;
	s10 =	sld [smem:$0x3FB6]  }
0x3d: {  	_ =	shalt  }
0x3e: {  	_ =	shalt  }
0x3f: {  	_ =	shalt  }
0x40: {  	_ =	shalt  }
0x41: {  	_ =	shalt  }
0x42: {  	_ =	shalt  }
0x43: {  	_ =	shalt  }
0x44: {  	_ =	shalt  }
0x45: {  	_ =	shalt  }
0x46: {  	_ =	shalt  }
0x47: {  	_ =	shalt  }
0x48: {  	_ =	shalt  }
0x49: {  	_ =	shalt  }
0x4a: {  	_ =	shalt  }
0x4b: {  	_ =	shalt  }
0x4c: {  	_ =	shalt  }
0x4d: {  	_ =	shalt  }
0x4e: {  	_ =	shalt  }
0x4f: {  	_ =	shalt  }
0x50: {  	_ =	shalt  }
0x51: {  	_ =	shalt  }
0x52: {  	_ =	shalt  }
0x53: {  	_ =	shalt  }
0x54: {  	_ =	shalt  }
0x55: {  	_ =	shalt  }
0x56: {  	_ =	shalt  }
0x57: {  	_ =	shalt  }
0x58: {  	_ =	shalt  }
0x59: {  	_ =	shalt  }
0x5a: {  	_ =	shalt  }
0x5b: {  	_ =	shalt  }
0x5c: {  	_ =	shalt  }
0x5d: {  	_ =	shalt  }
0x5e: {  	_ =	shalt  }
0x5f: {  	_ =	shalt  }
0x60: {  	_ =	shalt  }
0x61: {  	_ =	shalt  }
0x62: {  	_ =	shalt  }
0x63: {  	_ =	shalt  }
0x64: {  	_ =	shalt  }
0x65: {  	_ =	shalt  }
0x66: {  	_ =	shalt  }
0x67: {  	_ =	shalt  }
0x68: {  	_ =	shalt  }
0x69: {  	_ =	shalt  }
0x6a: {  	_ =	shalt  }
0x6b: {  	_ =	shalt  }
0x6c: {  	_ =	shalt  }
0x6d: {  	_ =	shalt  }
0x6e: {  	_ =	shalt  }
0x6f: {  	_ =	shalt  }
0x70: {  	_ =	shalt  }
0x71: {  	_ =	shalt  }
0x72: {  	_ =	shalt  }
0x73: {  	_ =	shalt  }
0x74: {  	_ =	shalt  }
0x75: {  	_ =	shalt  }
0x76: {  	_ =	shalt  }
0x77: {  	_ =	shalt  }
0x78: {  	_ =	shalt  }
0x79: {  	_ =	shalt  }
0x7a: {  	_ =	shalt  }
0x7b: {  	_ =	shalt  }
0x7c: {  	_ =	shalt  }
0x7d: {  	_ =	shalt  }
0x7e: {  	_ =	shalt  }
0x7f: {  	_ =	shalt  }
0x80: {  	_ =	shalt  }
0x81: {  	_ =	shalt  }
0x82: {  	_ =	shalt  }
0x83: {  	_ =	shalt  }
0x84: {  	_ =	shalt  }
0x85: {  	_ =	shalt  }
0x86: {  	_ =	shalt  }
0x87: {  	_ =	shalt  }
.Lfunc_end0:
.L_simem_size_0:
called_computation_lowered:
.L_overlay_start_0:
0x88: {  	s2 =	sld [smem:$0x3FD9]  }
0x89: {  	s3 =	sld [smem:$0x3FFE];
	_ =	sdelay $0x1  }
0x8a: {  	s1 =	srdreg.scid  }
0x8b: {  	s0 =	sand.u32 $0x1, s1  }
0x8c: {  	s17 =	sshll.u32 s0, $0xA;
	s2 =	sadd.s32 s3, s2  }
0x8d: {  	s2 =	sadd.s32 s2, s17  }
0x8e: {  	[smem:$0x3FC2] =	sst s2  }
0x8f: {  	_ = 	snop  }
0x90: {  	s18 =	sld [smem:$0x3FC8];
	(tm) =	ssettm $0x1  }
0x91: {  	s19 =	sld [smem:$0x3FFB];
	_ =	sdelay $0x3  }
0x92: {  	_ =	strace s19  }
0x93: {  	s2 =	sld [smem:$0x3FFC];
	_ =	sdelay $0x3  }
0x94: {  	_ =	strace s2  }
0x95: {  	s2 =	sld [smem:$0x3FFD];
	_ =	sdelay $0x3  }
0x96: {  	_ =	strace s2  }
0x97: {  	_ =	strace $0x8FFFFFFF  }
0x98: {  	s20 =	sld [smem:$0x3FDB];
	_ =	sdelay $0x1  }
0x99: {  	s4 =	simm.s32 $_scs_section_size  }
0x9a: {  	s5 =	simm.s32 $_size__tile_overlayer_lowered;
	s6 =	simm.s32 $_tile_overlayer_lowered  }
0x9b: {  	s7 =	simm.s32 $0x1BFF;
	s21 =	sshll.u32 s6, $0x1;
	s4 =	sadd.s32 s4, s20  }
0x9c: {  	s22 =	simm.s32 $0x0;
	s5 =	sshll.u32 s5, $0x1;
	s6 =	sadd.s32 s21, s4  }
0x9d: {  	[timem:s22], [sflag:s7] =	dma.local [hbm:s6], s5  }
0x9e: {  	_ =	swait.ge [sflag:s7], s5  }
0x9f: {  	s5 =	ssub.s32 $0x0, s5;
	[sflag:s7] =	ssyncset.done $0x0  }
0xa0: {  	[sflag:s7] =	ssyncadd.s32 s5;
	_ =	sdelay $0x1  }
0xa1: {  	s23 =	simm.s32 $0x1B8B  }
0xa2: {  	_ =	swait.ge [sflag:s23], $0x1  }
0xa3: {  	[sflag:s23] =	ssyncset.done $0x0  }
0xa4: {  	[sflag:s23] =	ssyncadd.s32 $0xFFFFFFFF  }
0xa5: {  	s5 =	sld [smem:$0x0]  }
0xa6: {  	s6 =	sand.u32 $0xFFFFFFFE, s1  }
0xa7: {  	p0 =	sne.s32 s1, s6  }
0xa8: {  	s6 =	sshll.u32 @p0 s6, $0xE  }
0xa9: {  	s6 =	sadd.s32 @p0 $0x11B8D, s6;
	s7 =	sshll.u32 @p0 s5, $0x11  }
0xaa: {  	s6 =	sor.u32 @p0 s7, s6  }
0xab: {  	[sflag:s6] =	ssyncadd.remote.s32 @p0 $0x1;
	_ =	sdelay $0x1  }
0xac: {  	s6 =	simm.s32 @p0 $0x1B8D  }
0xad: {  	_ =	swait.eq @p0 [sflag:s6], $0x1  }
0xae: {  	[sflag:s6] =	ssyncadd.s32 @p0 $0xFFFFFFFF  }
0xaf: {  	s7 =	sshll.u32 @!p0 s1, $0xE  }
0xb0: {  	s7 =	sor.u32 @!p0 $0x4000, s7;
	s6 =	simm.s32 @!p0 $0x1B8D  }
0xb1: {  	s5 =	sshll.u32 @!p0 s5, $0x11;
	s7 =	sadd.s32 @!p0 $0x11B8D, s7;
	_ =	swait.eq @!p0 [sflag:s6], $0x1  }
0xb2: {  	s5 =	sor.u32 @!p0 s5, s7;
	[sflag:s6] =	ssyncadd.s32 @!p0 $0xFFFFFFFF  }
0xb3: {  	s25 =	simm.s32 $0x1B8E;
	s24 =	sld [smem:$0x3FFE];
	[sflag:s5] =	ssyncadd.remote.s32 @!p0 $0x1  }
0xb4: {  	s26 =	simm.s32 $execute0_lowered;
	[smem:$0x3FD2] =	sst s25  }
0xb5: {  	s6 =	sshll.u32 s26, $0x1;
	_ =	strace $0x8000004F;
	[dreg:$0x1] =	wrdreg $0xFFFFFFFF  }
0xb6: {  	s28 =	simm.s32 $_size_execute0_lowered;
	s4 =	sadd.s32 s4, s6;
	[dreg:$0x0] =	wrdreg $0x0  }
0xb7: {  	s6 =	sshll.u32 s28, $0x1;
	[dreg:$0x2] =	wrdreg s4  }
0xb8: {  	[dreg:$0x3] =	wrdreg s6  }
0xb9: {  	[dreg:$0x4] =	wrdreg $0xC0  }
0xba: {  	_ =	task [dreg:s22], $0x5FFFF  }
0xbb: {  	[dreg:$0x1] =	wrdreg $0xFFFFFFFF  }
0xbc: {  	[dreg:$0x0] =	wrdreg $0x60  }
0xbd: {  	[dreg:$0x2] =	wrdreg s18  }
0xbe: {  	[dreg:$0x3] =	wrdreg s24  }
0xbf: {  	[dreg:$0x4] =	wrdreg $0x9  }
0xc0: {  	_ =	task.clear_ibuf [dreg:s22], $0x5FFFF;
	_ =	strace $0x9000004F  }
0xc1: {  	s29 =	simm.s32 $0x9;
	_ =	strace $0x80000051  }
0xc2: {  	_ =	swait.ge [sflag:s29], $0x1  }
0xc3: {  	[sflag:s29] =	ssyncadd.s32 $0xFFFFFFFF  }
0xc4: {  	_ =	strace $0x90000051  }
0xc5: {  	_ =	sfence  }
0xc6: {  	s30 =	sld [smem:$0x0];
	_ =	sdelay $0x2  }
0xc7: {  	s31 =	sshll.u32 s1, $0xD;
	s1 =	sshrl.u32 s1, $0x2  }
0xc8: {  	s4 =	sand.u32 $0x4000, s31;
	s1 =	sadd.s32 s1, s30  }
0xc9: {  	s0 =	sor.u32 s4, s0;
	s1 =	sshll.u32 s1, $0x11  }
0xca: {  	s0 =	sor.u32 s1, s0  }
0xcb: {  	s0 =	sadd.s32 $0x8F2B, s0  }
0xcc: {  	[sflag:s0] =	ssyncadd.remote.s32 $0x1  }
0xcd: {  	_ =	sfence.sel $0xFFFF  }
0xce: {  	[dreg:$0x0] =	wrdreg $0xFFFFFFFF;
	(pc) =	sbr.abs _section_cstart, $3  }
0xcf: {  	[dreg:$0x1] =	wrdreg $0xFFFFFFFF  }
0xd0: {  	_ =	task.clear_ibuf [dreg:s22], $0x2FFFF;
	_ =	strace $0x9FFFFFFF  }
0xd1: {  	(tm) =	ssettm $0x7FFFFFFF  }
tec
execute0_lowered:
.L_overlay_start_1:
0x0: {  	(tag) =	ssettag $0x1  }
0x1: {  	s1 =	srdreg.scid;
	s0 =	stileid.u32  }
0x2: {  	s19 =	sand.u32 $0x1, s1;
	s30 =	sshll.u32 s0, $0x1  }
0x3: {  	s17 =	sor.u32 s19, s30  }
0x4: {  	s2 =	rddreg [dreg:$0x0];
	s6 =	smul.u32 $0x500, s17  }
0x5: {  	s11 =	rddreg [dreg:$0x1];
	s3 =	simm.s32 $0x0;
	s5 =	simm.s32 $0x5  }
0x6: {  	[smem:$0x7FF] =	sst s3;
	s8 =	sadd.s32 $0x1C00, s11;
	s4 =	sshrl.u32 s6, $0x3  }
0x7: {  	s1 =	rddreg [dreg:$0x2];
	_ =	strace $0x80000050;
	s4 =	sadd.s32 s8, s4  }
0x8: {  	[tilespmem:s3], [sflag:$0x5] =	stream.linear.gather [hbm4b:s4+s3], $0x140, $0x38;
	[tilespmem:$0x14500] =	vst v63  }
0x9: {  	_ =	swait.ge [sflag:s5], $0x140  }
0xa: {  	s7 =	simm.s32 $0x500;
	s15 =	sadd.s32 $0x140, s6;
	[sflag:s5] =	ssyncset.done $0x0  }
0xb: {  	s6 =	simm.s32 $0x140;
	s9 =	sshrl.u32 s15, $0x3;
	[sflag:s5] =	ssyncadd.s32 $0xFFFFFEC0  }
0xc: {  	[tilespmem:s7], [sflag:$0x1] =	stream.indirect.gather [hbm4b:s2+s6], $0x80, s3, s6, $0xb8;
	[tilespmem:$0x14500] =	vst v63  }
0xd: {  	s8 =	sadd.s32 s8, s9  }
0xe: {  	[tilespmem:s6], [sflag:$0x5] =	stream.linear.gather [hbm4b:s8+s3], $0x3C0, $0x38;
	[tilespmem:$0x14500] =	vst v63  }
0xf: {  	_ =	swait.ge [sflag:s5], $0x3C0  }
0x10: {  	[sflag:s5] =	ssyncset.done $0x0  }
0x11: {  	s10 =	simm.s32 $0x1;
	s9 =	simm.s32 $0xA500;
	[sflag:s5] =	ssyncadd.s32 $0xFFFFFC40  }
0x12: {  	[tilespmem:s9], [sflag:$0x2] =	stream.indirect.gather [hbm4b:s2+s6], $0x80, s6, s6, $0xb8;
	[tilespmem:$0x14500] =	vst v63  }
0x13: {  	s12 =	smul.u32 $0x5000, s17;
	_ =	swait.ge [sflag:s10], $0xA000  }
0x14: {  	s18 =	sadd.s32 $0x1E7800, s11;
	[sflag:s10] =	ssyncset.done $0x0  }
0x15: {  	s11 =	sadd.s32 s18, s12;
	s12 =	simm.s32 $0x3;
	[sflag:s10] =	ssyncadd.s32 $0xFFFF6000  }
0x16: {  	[hbm4b:s11+s3] =	stream.linear.scatter [tilespmem:s7], [sflag:$0x3], $0xA000, $0x38;
	[tilespmem:$0x14500] =	vst v63  }
0x17: {  	_ =	swait.ge [sflag:s12], $0xA000  }
0x18: {  	[sflag:s12] =	ssyncset.done $0x0  }
0x19: {  	s13 =	simm.s32 $0x280;
	s14 =	simm.s32 $0x2;
	[sflag:s12] =	ssyncadd.s32 $0xFFFF6000  }
0x1a: {  	[tilespmem:s7], [sflag:$0x1] =	stream.indirect.gather [hbm4b:s2+s6], $0x80, s13, s6, $0xb8;
	[tilespmem:$0x14500] =	vst v63  }
0x1b: {  	_ =	swait.ge [sflag:s14], $0xA000  }
0x1c: {  	s15 =	sshll.u32 s15, $0x4;
	[sflag:s14] =	ssyncset.done $0x0  }
0x1d: {  	s16 =	sadd.s32 s18, s15;
	s15 =	simm.s32 $0x4;
	[sflag:s14] =	ssyncadd.s32 $0xFFFF6000  }
0x1e: {  	[hbm4b:s16+s3] =	stream.linear.scatter [tilespmem:s9], [sflag:$0x4], $0xA000, $0x38;
	[tilespmem:$0x14500] =	vst v63  }
0x1f: {  	_ =	swait.ge [sflag:s15], $0xA000  }
0x20: {  	[sflag:s15] =	ssyncset.done $0x0  }
0x21: {  	s20 =	smul.u32 $0x28000, s17;
	s17 =	simm.s32 $0x3C0;
	[sflag:s15] =	ssyncadd.s32 $0xFFFF6000  }
0x22: {  	[tilespmem:s9], [sflag:$0x2] =	stream.indirect.gather [hbm4b:s2+s6], $0x80, s17, s6, $0xb8;
	[tilespmem:$0x14500] =	vst v63  }
0x23: {  	s20 =	sshrl.u32 s20, $0x3;
	_ =	swait.ge [sflag:s10], $0xA000  }
0x24: {  	s21 =	ssub.s32 $0x2, s19;
	s20 =	sadd.s32 s18, s20;
	[sflag:s10] =	ssyncset.done $0x0  }
0x25: {  	s31 =	sshrl.u32 s21, $0x1;
	s18 =	sadd.s32 $0x2800, s20;
	[sflag:s10] =	ssyncadd.s32 $0xFFFF6000  }
0x26: {  	[hbm4b:s18+s3] =	stream.linear.scatter [tilespmem:s7], [sflag:$0x3], $0xA000, $0x38;
	[tilespmem:$0x14500] =	vst v63  }
0x27: {  	s19 =	sadd.s32 $0x3C00, s20;
	s20 =	ssub.s32 s21, s31;
	_ =	swait.ge [sflag:s14], $0xA000  }
0x28: {  	s20 =	smax.u32 s20, $0x1;
	[sflag:s14] =	ssyncset.done $0x0  }
0x29: {  	p0 =	sne.s32 s20, $0x1;
	[sflag:s14] =	ssyncadd.s32 $0xFFFF6000  }
0x2a: {  	[hbm4b:s19+s3] =	stream.linear.scatter [tilespmem:s9], [sflag:$0x4], $0xA000, $0x38;
	[tilespmem:$0x14500] =	vst v63  }
.Ltmp0:
0x2b: {  	_ =	swait.ge [sflag:s12], $0xA000;
	(pc) =	sbr.rel @!p0 .LBB2_2-.Ltmp0, $4  }
0x2c: {  	[sflag:s12] =	ssyncset.done $0x0  }
0x2d: {  	[sflag:s12] =	ssyncadd.s32 $0xFFFF6000  }
0x2e: {  	_ =	swait.ge [sflag:s15], $0xA000  }
0x2f: {  	s20 =	sadd.s32 $0xFFFFFFFF, s20;
	[sflag:s15] =	ssyncset.done $0x0  }
.LBB2_1:
0x30: {  	p0 =	sne.s32 s20, $0x1;
	s20 =	sadd.s32 $0xFFFFFFFF, s20;
	[sflag:s15] =	ssyncadd.s32 $0xFFFF6000  }
0x31: {  	[tilespmem:s3], [sflag:$0x5] =	stream.linear.gather [hbm4b:s4+s3], $0x140, $0x38;
	[tilespmem:$0x14500] =	vst v63  }
0x32: {  	_ =	swait.ge [sflag:s5], $0x140  }
0x33: {  	[sflag:s5] =	ssyncset.done $0x0  }
0x34: {  	[sflag:s5] =	ssyncadd.s32 $0xFFFFFEC0  }
0x35: {  	[tilespmem:s7], [sflag:$0x1] =	stream.indirect.gather [hbm4b:s2+s6], $0x80, s3, s6, $0xb8;
	[tilespmem:$0x14500] =	vst v63  }
0x36: {  	_ = 	snop  }
0x37: {  	[tilespmem:s6], [sflag:$0x5] =	stream.linear.gather [hbm4b:s8+s3], $0x3C0, $0x38;
	[tilespmem:$0x14500] =	vst v63  }
0x38: {  	_ =	swait.ge [sflag:s5], $0x3C0  }
0x39: {  	[sflag:s5] =	ssyncset.done $0x0  }
0x3a: {  	[sflag:s5] =	ssyncadd.s32 $0xFFFFFC40  }
0x3b: {  	[tilespmem:s9], [sflag:$0x2] =	stream.indirect.gather [hbm4b:s2+s6], $0x80, s6, s6, $0xb8;
	[tilespmem:$0x14500] =	vst v63  }
0x3c: {  	_ =	swait.ge [sflag:s10], $0xA000  }
0x3d: {  	[sflag:s10] =	ssyncset.done $0x0  }
0x3e: {  	[sflag:s10] =	ssyncadd.s32 $0xFFFF6000  }
0x3f: {  	[hbm4b:s11+s3] =	stream.linear.scatter [tilespmem:s7], [sflag:$0x3], $0xA000, $0x38;
	[tilespmem:$0x14500] =	vst v63  }
0x40: {  	_ =	swait.ge [sflag:s12], $0xA000  }
0x41: {  	[sflag:s12] =	ssyncset.done $0x0  }
0x42: {  	[sflag:s12] =	ssyncadd.s32 $0xFFFF6000  }
0x43: {  	[tilespmem:s7], [sflag:$0x1] =	stream.indirect.gather [hbm4b:s2+s6], $0x80, s13, s6, $0xb8;
	[tilespmem:$0x14500] =	vst v63  }
0x44: {  	_ =	swait.ge [sflag:s14], $0xA000  }
0x45: {  	[sflag:s14] =	ssyncset.done $0x0  }
0x46: {  	[sflag:s14] =	ssyncadd.s32 $0xFFFF6000  }
0x47: {  	[hbm4b:s16+s3] =	stream.linear.scatter [tilespmem:s9], [sflag:$0x4], $0xA000, $0x38;
	[tilespmem:$0x14500] =	vst v63  }
0x48: {  	_ =	swait.ge [sflag:s15], $0xA000  }
0x49: {  	[sflag:s15] =	ssyncset.done $0x0  }
0x4a: {  	[sflag:s15] =	ssyncadd.s32 $0xFFFF6000  }
0x4b: {  	[tilespmem:s9], [sflag:$0x2] =	stream.indirect.gather [hbm4b:s2+s6], $0x80, s17, s6, $0xb8;
	[tilespmem:$0x14500] =	vst v63  }
0x4c: {  	_ =	swait.ge [sflag:s10], $0xA000  }
0x4d: {  	[sflag:s10] =	ssyncset.done $0x0  }
0x4e: {  	[sflag:s10] =	ssyncadd.s32 $0xFFFF6000  }
0x4f: {  	[hbm4b:s18+s3] =	stream.linear.scatter [tilespmem:s7], [sflag:$0x3], $0xA000, $0x38;
	[tilespmem:$0x14500] =	vst v63  }
0x50: {  	_ =	swait.ge [sflag:s14], $0xA000  }
0x51: {  	[sflag:s14] =	ssyncset.done $0x0  }
0x52: {  	[sflag:s14] =	ssyncadd.s32 $0xFFFF6000  }
0x53: {  	[hbm4b:s19+s3] =	stream.linear.scatter [tilespmem:s9], [sflag:$0x4], $0xA000, $0x38;
	[tilespmem:$0x14500] =	vst v63  }
.Ltmp1:
0x54: {  	_ =	swait.ge [sflag:s12], $0xA000;
	(pc) =	sbr.rel @p0 .LBB2_1-.Ltmp1, $4  }
0x55: {  	[sflag:s12] =	ssyncset.done $0x0  }
0x56: {  	[sflag:s12] =	ssyncadd.s32 $0xFFFF6000  }
0x57: {  	_ =	swait.ge [sflag:s15], $0xA000  }
0x58: {  	[sflag:s15] =	ssyncset.done $0x0  }
.LBB2_2:
0x59: {  	[sflag:s15] =	ssyncadd.s32 $0xFFFF6000  }
0x5a: {  	_ =	sfence.sel $0x180000  }
0x5b: {  	[bflag:$0x0] =	sbarrier.arrive $0xFFFF  }
0x5c: {  	p0 =	sne.s32 s0, $0x0;
	_ =	strace $0x90000050  }
0x5d: {  	s0 =	sadd.s32 @!p0 $0x100000, s1;
	[bflag:$0x2] =	sbarrier.arrive $0xFFFF  }
0x5e: {  	[sflag:s0] =	ssyncadd.tile.s32 @!p0 $0x1;
	_ =	shalt  }
.Lfunc_end2:
_tile_overlayer_lowered:
.L_overlay_start_2:
0x5f: {  	(tag) =	ssettag $0x2  }
0x60: {  	s0 =	rddreg [dreg:$0x0];
	s2 =	stileid.u32  }
0x61: {  	s1 =	rddreg [dreg:$0x1];
	p0 =	sne.s32 s2, $0x0  }
0x62: {  	s3 =	rddreg [dreg:$0x2];
	[bflag:$0x3] =	sbarrier.arrive $0xFFFF;
	s2 =	simm.s32 @!p0 $0x1C05  }
0x63: {  	[timem:s3], [sflag:s2] =	dma.local @!p0 [hbm:s0], s1  }
0x64: {  	s0 =	simm.s32 @!p0 $0x5  }
0x65: {  	_ =	swait.ge @!p0 [sflag:s0], s1  }
0x66: {  	s1 =	ssub.s32 @!p0 $0x0, s1;
	[sflag:s0] =	ssyncset.done @!p0 $0x0  }
0x67: {  	[sflag:s0] =	ssyncadd.s32 @!p0 s1  }
0x68: {  	[bflag:$0x3] =	sbarrier.arrive $0xFFFF  }
0x69: {  	_ =	shalt  }

// kernel: kernel.13.cloned.1.call-start
scs
__scs_entry_jumppad:
0x0: {  	(pc) =	sbr.rel $0x88, $3  }
0x1: {  	(tag) =	ssettag $0x0;
	lr =	simm.s32 $0x1  }
0x2: {  	[smem:$0x3F9B] =	sst lr;
	_ =	strace $0xD0000000  }
0x3: {  	_ = 	snop  }
0x4: {  	_ = 	snop  }
0x5: {  	_ = 	snop  }
0x6: {  	_ = 	snop  }
0x7: {  	_ = 	snop  }
__scs_overlays_trampoline_lowered:
0x8: {  	[smem:$0x3FAA] =	sst s0  }
0x9: {  	[smem:$0x3FAB] =	sst s1  }
0xa: {  	[smem:$0x3FAC] =	sst s2  }
0xb: {  	[smem:$0x3FAD] =	sst s3  }
0xc: {  	[smem:$0x3FAE] =	sst s4  }
0xd: {  	[smem:$0x3FAF] =	sst s5  }
0xe: {  	[smem:$0x3FB0] =	sst s6  }
0xf: {  	[smem:$0x3FB1] =	sst s7  }
0x10: {  	[smem:$0x3FB2] =	sst s8  }
0x11: {  	[smem:$0x3FB3] =	sst s9;
	s0 =	simm.s32 @!p0 $0x0  }
0x12: {  	s1 =	sld [smem:$0x3F99];
	s0 =	simm.s32 @p0 $0x1  }
0x13: {  	[smem:$0x3FB4] =	sst s0;
	s0 =	simm.s32 @!p1 $0x0  }
0x14: {  	s2 =	sld [smem:$0x3F98];
	s0 =	simm.s32 @p1 $0x1  }
0x15: {  	[smem:$0x3FB5] =	sst s0;
	s0 =	simm.s32 @!p2 $0x0  }
0x16: {  	s3 =	sld [smem:$0x3FDB];
	s0 =	simm.s32 @p2 $0x1  }
0x17: {  	s4 =	simm.s32 $0x1BF5;
	[smem:$0x3FB7] =	sst s0  }
0x18: {  	s0 =	sld [smem:$0x3F9A];
	_ =	swait.ge [sflag:s4], $0x0  }
0x19: {  	s7 =	sld [smem:$0x3F9B]  }
0x1a: {  	s8 =	sadd.s32 $0xFFFFE003, lr  }
0x1b: {  	s9 =	sadd.s32 $0xFFFFFEF7, lr;
	s5 =	simm.s32 $0xFFFFFFFF;
	p2 =	slt.u32 s8, $0xFFFFF086  }
0x1c: {  	p1 =	slt.u32 s9, $0xF7A;
	s5 =	simm.s32 @!p2 $0x0  }
0x1d: {  	s5 =	simm.s32 @p1 $0x1;
	p0 =	seq.s32 s7, s2  }
0x1e: {  	s7 =	smul.u32 @!p0 $0xF7A, s2;
	p2 =	seq.s32 @!p0 s5, $0x0  }
0x1f: {  	s9 =	smul.u32 $0xF7A, s1;
	s8 =	simm.s32 @!p0 $0x1BF5;
	p2 =	por !p2, p0  }
0x20: {  	[sflag:s8] =	ssyncset.s32 @!p0 $0xFFFFF086;
	s6 =	sadd.s32 @!p0 s3, s7;
	s7 =	simm.s32 @!p0 $0x108  }
0x21: {  	s3 =	sadd.s32 s3, s9;
	s6 =	sadd.s32 @!p0 $0x88, s6;
	s7 =	simm.s32 @p2 $0x1082  }
0x22: {  	[simem:s7], [sflag:s8] =	dma.local @!p0 [hbm:s6], $0xF7A  }
0x23: {  	s9 =	sor.u32 $0xD0000000, s2;
	s6 =	simm.s32 $0x108;
	_ =	swait.ge @!p0 [sflag:s8], $0x0  }
0x24: {  	s3 =	sadd.s32 $0x88, s3;
	s6 =	simm.s32 @!p1 $0x1082;
	[sflag:s4] =	ssyncset.s32 $0xFFFFF086  }
0x25: {  	[simem:s6], [sflag:s4] =	dma.local [hbm:s3], $0xF7A  }
0x26: {  	[smem:$0x3F9B] =	sst s1;
	(tag) =	ssettag s2;
	_ =	strace s9  }
0x27: {  	s1 =	sld [smem:$0x3FAB]  }
0x28: {  	s2 =	sld [smem:$0x3FAC]  }
0x29: {  	s4 =	sld [smem:$0x3FAE]  }
0x2a: {  	p0 =	seq.s32 s5, $0x0;
	s5 =	sld [smem:$0x3FAF]  }
0x2b: {  	s6 =	sld [smem:$0x3FB0]  }
0x2c: {  	s7 =	sld [smem:$0x3FB1]  }
0x2d: {  	s3 =	simm.s32 $0x108;
	s8 =	sld [smem:$0x3FB2]  }
0x2e: {  	s3 =	simm.s32 @!p0 $0x1082;
	s9 =	sld [smem:$0x3FB3]  }
0x2f: {  	lr =	sadd.s32 s0, s3;
	s0 =	sld [smem:$0x3FAA]  }
0x30: {  	s3 =	sld [smem:$0x3FAD]  }
0x31: {  	[smem:$0x3FB6] =	sst s10  }
0x32: {  	s10 =	sld [smem:$0x3FB4];
	_ =	sdelay $0x3  }
0x33: {  	p0 =	seq.s32 s10, $0x1;
	s10 =	sld [smem:$0x3FB6];
	_ =	sdelay $0x3  }
0x34: {  	[smem:$0x3FB6] =	sst s10  }
0x35: {  	s10 =	sld [smem:$0x3FB5];
	_ =	sdelay $0x3  }
0x36: {  	p1 =	seq.s32 s10, $0x1;
	s10 =	sld [smem:$0x3FB6];
	_ =	sdelay $0x3  }
0x37: {  	[smem:$0x3FB6] =	sst s10  }
0x38: {  	s10 =	sld [smem:$0x3FB7]  }
0x39: {  	_ = 	snop;
	(pc) =	sbr.ind lr, $3  }
0x3a: {  	_ = 	snop  }
0x3b: {  	_ = 	snop  }
0x3c: {  	p2 =	seq.s32 s10, $0x1;
	s10 =	sld [smem:$0x3FB6]  }
0x3d: {  	_ =	shalt  }
0x3e: {  	_ =	shalt  }
0x3f: {  	_ =	shalt  }
0x40: {  	_ =	shalt  }
0x41: {  	_ =	shalt  }
0x42: {  	_ =	shalt  }
0x43: {  	_ =	shalt  }
0x44: {  	_ =	shalt  }
0x45: {  	_ =	shalt  }
0x46: {  	_ =	shalt  }
0x47: {  	_ =	shalt  }
0x48: {  	_ =	shalt  }
0x49: {  	_ =	shalt  }
0x4a: {  	_ =	shalt  }
0x4b: {  	_ =	shalt  }
0x4c: {  	_ =	shalt  }
0x4d: {  	_ =	shalt  }
0x4e: {  	_ =	shalt  }
0x4f: {  	_ =	shalt  }
0x50: {  	_ =	shalt  }
0x51: {  	_ =	shalt  }
0x52: {  	_ =	shalt  }
0x53: {  	_ =	shalt  }
0x54: {  	_ =	shalt  }
0x55: {  	_ =	shalt  }
0x56: {  	_ =	shalt  }
0x57: {  	_ =	shalt  }
0x58: {  	_ =	shalt  }
0x59: {  	_ =	shalt  }
0x5a: {  	_ =	shalt  }
0x5b: {  	_ =	shalt  }
0x5c: {  	_ =	shalt  }
0x5d: {  	_ =	shalt  }
0x5e: {  	_ =	shalt  }
0x5f: {  	_ =	shalt  }
0x60: {  	_ =	shalt  }
0x61: {  	_ =	shalt  }
0x62: {  	_ =	shalt  }
0x63: {  	_ =	shalt  }
0x64: {  	_ =	shalt  }
0x65: {  	_ =	shalt  }
0x66: {  	_ =	shalt  }
0x67: {  	_ =	shalt  }
0x68: {  	_ =	shalt  }
0x69: {  	_ =	shalt  }
0x6a: {  	_ =	shalt  }
0x6b: {  	_ =	shalt  }
0x6c: {  	_ =	shalt  }
0x6d: {  	_ =	shalt  }
0x6e: {  	_ =	shalt  }
0x6f: {  	_ =	shalt  }
0x70: {  	_ =	shalt  }
0x71: {  	_ =	shalt  }
0x72: {  	_ =	shalt  }
0x73: {  	_ =	shalt  }
0x74: {  	_ =	shalt  }
0x75: {  	_ =	shalt  }
0x76: {  	_ =	shalt  }
0x77: {  	_ =	shalt  }
0x78: {  	_ =	shalt  }
0x79: {  	_ =	shalt  }
0x7a: {  	_ =	shalt  }
0x7b: {  	_ =	shalt  }
0x7c: {  	_ =	shalt  }
0x7d: {  	_ =	shalt  }
0x7e: {  	_ =	shalt  }
0x7f: {  	_ =	shalt  }
0x80: {  	_ =	shalt  }
0x81: {  	_ =	shalt  }
0x82: {  	_ =	shalt  }
0x83: {  	_ =	shalt  }
0x84: {  	_ =	shalt  }
0x85: {  	_ =	shalt  }
0x86: {  	_ =	shalt  }
0x87: {  	_ =	shalt  }
.Lfunc_end0:
.L_simem_size_0:
called_computation.1_lowered:
.L_overlay_start_0:
0x88: {  	s2 =	sld [smem:$0x3FD9]  }
0x89: {  	s3 =	sld [smem:$0x3FFE];
	_ =	sdelay $0x1  }
0x8a: {  	s1 =	srdreg.scid  }
0x8b: {  	s0 =	sand.u32 $0x1, s1  }
0x8c: {  	s17 =	sshll.u32 s0, $0xA;
	s2 =	sadd.s32 s3, s2  }
0x8d: {  	s2 =	sadd.s32 s2, s17  }
0x8e: {  	[smem:$0x3FC2] =	sst s2  }
0x8f: {  	_ = 	snop  }
0x90: {  	s2 =	sld [smem:$0x3FC8];
	(tm) =	ssettm $0x1  }
0x91: {  	s18 =	sld [smem:$0x3FFB];
	_ =	sdelay $0x3  }
0x92: {  	_ =	strace s18  }
0x93: {  	s3 =	sld [smem:$0x3FFC];
	_ =	sdelay $0x3  }
0x94: {  	_ =	strace s3  }
0x95: {  	s3 =	sld [smem:$0x3FFD];
	_ =	sdelay $0x3  }
0x96: {  	_ =	strace s3  }
0x97: {  	_ =	strace $0x8FFFFFFF  }
0x98: {  	s19 =	sld [smem:$0x3FDB];
	_ =	sdelay $0x1  }
0x99: {  	s4 =	simm.s32 $_scs_section_size  }
0x9a: {  	s5 =	simm.s32 $_size__tile_overlayer_lowered;
	s6 =	simm.s32 $_tile_overlayer_lowered  }
0x9b: {  	s22 =	simm.s32 $0x1BFF;
	s21 =	sshll.u32 s6, $0x1;
	s3 =	sadd.s32 s4, s19  }
0x9c: {  	s7 =	simm.s32 $0x0;
	s20 =	sshll.u32 s5, $0x1;
	s5 =	sadd.s32 s21, s3  }
0x9d: {  	[timem:s7], [sflag:s22] =	dma.local [hbm:s5], s20  }
0x9e: {  	_ =	swait.ge [sflag:s22], s20  }
0x9f: {  	s4 =	ssub.s32 $0x0, s20;
	[sflag:s22] =	ssyncset.done $0x0  }
0xa0: {  	[sflag:s22] =	ssyncadd.s32 s4;
	_ =	sdelay $0x1  }
0xa1: {  	s23 =	simm.s32 $0x1B8B  }
0xa2: {  	_ =	swait.ge [sflag:s23], $0x1  }
0xa3: {  	[sflag:s23] =	ssyncset.done $0x0  }
0xa4: {  	s25 =	simm.s32 $0x1B8E;
	s24 =	sld [smem:$0x3FFE];
	[sflag:s23] =	ssyncadd.s32 $0xFFFFFFFF  }
0xa5: {  	s26 =	simm.s32 $execute0_lowered;
	[smem:$0x3FD2] =	sst s25  }
0xa6: {  	s5 =	sshll.u32 s26, $0x1;
	_ =	strace $0x80000046;
	[dreg:$0x1] =	wrdreg $0xFFFFFFFF  }
0xa7: {  	s28 =	simm.s32 $_size_execute0_lowered;
	s3 =	sadd.s32 s3, s5;
	[dreg:$0x0] =	wrdreg $0x0  }
0xa8: {  	s5 =	sshll.u32 s28, $0x1;
	[dreg:$0x2] =	wrdreg s3  }
0xa9: {  	[dreg:$0x3] =	wrdreg s5  }
0xaa: {  	[dreg:$0x4] =	wrdreg $0xC0  }
0xab: {  	_ =	task [dreg:s7], $0x5FFFF  }
0xac: {  	[dreg:$0x1] =	wrdreg $0xFFFFFFFF  }
0xad: {  	[dreg:$0x0] =	wrdreg $0x60  }
0xae: {  	[dreg:$0x2] =	wrdreg s2  }
0xaf: {  	[dreg:$0x3] =	wrdreg s24  }
0xb0: {  	[dreg:$0x4] =	wrdreg $0xA  }
0xb1: {  	_ =	task.clear_ibuf [dreg:s7], $0x5FFFF;
	_ =	strace $0x90000046  }
0xb2: {  	s29 =	simm.s32 $0xA;
	_ =	strace $0x80000048  }
0xb3: {  	_ =	swait.ge [sflag:s29], $0x1  }
0xb4: {  	[sflag:s29] =	ssyncadd.s32 $0xFFFFFFFF  }
0xb5: {  	_ =	strace $0x90000048  }
0xb6: {  	_ =	sfence  }
0xb7: {  	s30 =	sld [smem:$0x0];
	_ =	sdelay $0x2  }
0xb8: {  	s31 =	sshll.u32 s1, $0xD;
	s1 =	sshrl.u32 s1, $0x2  }
0xb9: {  	s3 =	sand.u32 $0x4000, s31;
	s1 =	sadd.s32 s1, s30  }
0xba: {  	s0 =	sor.u32 s3, s0;
	s1 =	sshll.u32 s1, $0x11  }
0xbb: {  	s0 =	sor.u32 s1, s0  }
0xbc: {  	s0 =	sadd.s32 $0x8F2B, s0  }
0xbd: {  	[sflag:s0] =	ssyncadd.remote.s32 $0x1  }
0xbe: {  	_ =	sfence.sel $0xFFFF  }
0xbf: {  	[dreg:$0x0] =	wrdreg $0xFFFFFFFF;
	(pc) =	sbr.abs _section_cstart, $3  }
0xc0: {  	[dreg:$0x1] =	wrdreg $0xFFFFFFFF  }
0xc1: {  	_ =	task.clear_ibuf [dreg:s7], $0x2FFFF;
	_ =	strace $0x9FFFFFFF  }
0xc2: {  	(tm) =	ssettm $0x7FFFFFFF  }
0xc3: {  	_ =	shalt  }
tec
execute0_lowered:
.L_overlay_start_1:
0x0: {  	(tag) =	ssettag $0x1  }
0x1: {  	s1 =	srdreg.scid;
	s0 =	stileid.u32  }
0x2: {  	s19 =	sand.u32 $0x1, s1;
	s30 =	sshll.u32 s0, $0x1  }
0x3: {  	s17 =	sor.u32 s19, s30  }
0x4: {  	s2 =	rddreg [dreg:$0x0];
	s6 =	smul.u32 $0x500, s17  }
0x5: {  	s11 =	rddreg [dreg:$0x1];
	s3 =	simm.s32 $0x0;
	s5 =	simm.s32 $0x5  }
0x6: {  	[smem:$0x7FF] =	sst s3;
	s8 =	sadd.s32 $0x3C00, s11;
	s4 =	sshrl.u32 s6, $0x3  }
0x7: {  	s1 =	rddreg [dreg:$0x2];
	_ =	strace $0x80000047;
	s4 =	sadd.s32 s8, s4  }
0x8: {  	[tilespmem:s3], [sflag:$0x5] =	stream.linear.gather [hbm4b:s4+s3], $0x140, $0x38;
	[tilespmem:$0x14500] =	vst v63  }
0x9: {  	_ =	swait.ge [sflag:s5], $0x140  }
0xa: {  	s7 =	simm.s32 $0x500;
	s15 =	sadd.s32 $0x140, s6;
	[sflag:s5] =	ssyncset.done $0x0  }
0xb: {  	s6 =	simm.s32 $0x140;
	s9 =	sshrl.u32 s15, $0x3;
	[sflag:s5] =	ssyncadd.s32 $0xFFFFFEC0  }
0xc: {  	[tilespmem:s7], [sflag:$0x1] =	stream.indirect.gather [hbm4b:s2+s6], $0x80, s3, s6, $0xb8;
	[tilespmem:$0x14500] =	vst v63  }
0xd: {  	s8 =	sadd.s32 s8, s9  }
0xe: {  	[tilespmem:s6], [sflag:$0x5] =	stream.linear.gather [hbm4b:s8+s3], $0x3C0, $0x38;
	[tilespmem:$0x14500] =	vst v63  }
0xf: {  	_ =	swait.ge [sflag:s5], $0x3C0  }
0x10: {  	[sflag:s5] =	ssyncset.done $0x0  }
0x11: {  	s10 =	simm.s32 $0x1;
	s9 =	simm.s32 $0xA500;
	[sflag:s5] =	ssyncadd.s32 $0xFFFFFC40  }
0x12: {  	[tilespmem:s9], [sflag:$0x2] =	stream.indirect.gather [hbm4b:s2+s6], $0x80, s6, s6, $0xb8;
	[tilespmem:$0x14500] =	vst v63  }
0x13: {  	s12 =	smul.u32 $0x5000, s17;
	_ =	swait.ge [sflag:s10], $0xA000  }
0x14: {  	s18 =	sadd.s32 $0x5000, s11;
	[sflag:s10] =	ssyncset.done $0x0  }
0x15: {  	s11 =	sadd.s32 s18, s12;
	s12 =	simm.s32 $0x3;
	[sflag:s10] =	ssyncadd.s32 $0xFFFF6000  }
0x16: {  	[hbm4b:s11+s3] =	stream.linear.scatter [tilespmem:s7], [sflag:$0x3], $0xA000, $0x38;
	[tilespmem:$0x14500] =	vst v63  }
0x17: {  	_ =	swait.ge [sflag:s12], $0xA000  }
0x18: {  	[sflag:s12] =	ssyncset.done $0x0  }
0x19: {  	s13 =	simm.s32 $0x280;
	s14 =	simm.s32 $0x2;
	[sflag:s12] =	ssyncadd.s32 $0xFFFF6000  }
0x1a: {  	[tilespmem:s7], [sflag:$0x1] =	stream.indirect.gather [hbm4b:s2+s6], $0x80, s13, s6, $0xb8;
	[tilespmem:$0x14500] =	vst v63  }
0x1b: {  	_ =	swait.ge [sflag:s14], $0xA000  }
0x1c: {  	s15 =	sshll.u32 s15, $0x4;
	[sflag:s14] =	ssyncset.done $0x0  }
0x1d: {  	s16 =	sadd.s32 s18, s15;
	s15 =	simm.s32 $0x4;
	[sflag:s14] =	ssyncadd.s32 $0xFFFF6000  }
0x1e: {  	[hbm4b:s16+s3] =	stream.linear.scatter [tilespmem:s9], [sflag:$0x4], $0xA000, $0x38;
	[tilespmem:$0x14500] =	vst v63  }
0x1f: {  	_ =	swait.ge [sflag:s15], $0xA000  }
0x20: {  	[sflag:s15] =	ssyncset.done $0x0  }
0x21: {  	s20 =	smul.u32 $0x28000, s17;
	s17 =	simm.s32 $0x3C0;
	[sflag:s15] =	ssyncadd.s32 $0xFFFF6000  }
0x22: {  	[tilespmem:s9], [sflag:$0x2] =	stream.indirect.gather [hbm4b:s2+s6], $0x80, s17, s6, $0xb8;
	[tilespmem:$0x14500] =	vst v63  }
0x23: {  	s20 =	sshrl.u32 s20, $0x3;
	_ =	swait.ge [sflag:s10], $0xA000  }
0x24: {  	s21 =	ssub.s32 $0x2, s19;
	s20 =	sadd.s32 s18, s20;
	[sflag:s10] =	ssyncset.done $0x0  }
0x25: {  	s31 =	sshrl.u32 s21, $0x1;
	s18 =	sadd.s32 $0x2800, s20;
	[sflag:s10] =	ssyncadd.s32 $0xFFFF6000  }
0x26: {  	[hbm4b:s18+s3] =	stream.linear.scatter [tilespmem:s7], [sflag:$0x3], $0xA000, $0x38;
	[tilespmem:$0x14500] =	vst v63  }
0x27: {  	s19 =	sadd.s32 $0x3C00, s20;
	s20 =	ssub.s32 s21, s31;
	_ =	swait.ge [sflag:s14], $0xA000  }
0x28: {  	s20 =	smax.u32 s20, $0x1;
	[sflag:s14] =	ssyncset.done $0x0  }
0x29: {  	p0 =	sne.s32 s20, $0x1;
	[sflag:s14] =	ssyncadd.s32 $0xFFFF6000  }
0x2a: {  	[hbm4b:s19+s3] =	stream.linear.scatter [tilespmem:s9], [sflag:$0x4], $0xA000, $0x38;
	[tilespmem:$0x14500] =	vst v63  }
.Ltmp0:
0x2b: {  	_ =	swait.ge [sflag:s12], $0xA000;
	(pc) =	sbr.rel @!p0 .LBB2_2-.Ltmp0, $4  }
0x2c: {  	[sflag:s12] =	ssyncset.done $0x0  }
0x2d: {  	[sflag:s12] =	ssyncadd.s32 $0xFFFF6000  }
0x2e: {  	_ =	swait.ge [sflag:s15], $0xA000  }
0x2f: {  	s20 =	sadd.s32 $0xFFFFFFFF, s20;
	[sflag:s15] =	ssyncset.done $0x0  }
.LBB2_1:
0x30: {  	p0 =	sne.s32 s20, $0x1;
	s20 =	sadd.s32 $0xFFFFFFFF, s20;
	[sflag:s15] =	ssyncadd.s32 $0xFFFF6000  }
0x31: {  	[tilespmem:s3], [sflag:$0x5] =	stream.linear.gather [hbm4b:s4+s3], $0x140, $0x38;
	[tilespmem:$0x14500] =	vst v63  }
0x32: {  	_ =	swait.ge [sflag:s5], $0x140  }
0x33: {  	[sflag:s5] =	ssyncset.done $0x0  }
0x34: {  	[sflag:s5] =	ssyncadd.s32 $0xFFFFFEC0  }
0x35: {  	[tilespmem:s7], [sflag:$0x1] =	stream.indirect.gather [hbm4b:s2+s6], $0x80, s3, s6, $0xb8;
	[tilespmem:$0x14500] =	vst v63  }
0x36: {  	_ = 	snop  }
0x37: {  	[tilespmem:s6], [sflag:$0x5] =	stream.linear.gather [hbm4b:s8+s3], $0x3C0, $0x38;
	[tilespmem:$0x14500] =	vst v63  }
0x38: {  	_ =	swait.ge [sflag:s5], $0x3C0  }
0x39: {  	[sflag:s5] =	ssyncset.done $0x0  }
0x3a: {  	[sflag:s5] =	ssyncadd.s32 $0xFFFFFC40  }
0x3b: {  	[tilespmem:s9], [sflag:$0x2] =	stream.indirect.gather [hbm4b:s2+s6], $0x80, s6, s6, $0xb8;
	[tilespmem:$0x14500] =	vst v63  }
0x3c: {  	_ =	swait.ge [sflag:s10], $0xA000  }
0x3d: {  	[sflag:s10] =	ssyncset.done $0x0  }
0x3e: {  	[sflag:s10] =	ssyncadd.s32 $0xFFFF6000  }
0x3f: {  	[hbm4b:s11+s3] =	stream.linear.scatter [tilespmem:s7], [sflag:$0x3], $0xA000, $0x38;
	[tilespmem:$0x14500] =	vst v63  }
0x40: {  	_ =	swait.ge [sflag:s12], $0xA000  }
0x41: {  	[sflag:s12] =	ssyncset.done $0x0  }
0x42: {  	[sflag:s12] =	ssyncadd.s32 $0xFFFF6000  }
0x43: {  	[tilespmem:s7], [sflag:$0x1] =	stream.indirect.gather [hbm4b:s2+s6], $0x80, s13, s6, $0xb8;
	[tilespmem:$0x14500] =	vst v63  }
0x44: {  	_ =	swait.ge [sflag:s14], $0xA000  }
0x45: {  	[sflag:s14] =	ssyncset.done $0x0  }
0x46: {  	[sflag:s14] =	ssyncadd.s32 $0xFFFF6000  }
0x47: {  	[hbm4b:s16+s3] =	stream.linear.scatter [tilespmem:s9], [sflag:$0x4], $0xA000, $0x38;
	[tilespmem:$0x14500] =	vst v63  }
0x48: {  	_ =	swait.ge [sflag:s15], $0xA000  }
0x49: {  	[sflag:s15] =	ssyncset.done $0x0  }
0x4a: {  	[sflag:s15] =	ssyncadd.s32 $0xFFFF6000  }
0x4b: {  	[tilespmem:s9], [sflag:$0x2] =	stream.indirect.gather [hbm4b:s2+s6], $0x80, s17, s6, $0xb8;
	[tilespmem:$0x14500] =	vst v63  }
0x4c: {  	_ =	swait.ge [sflag:s10], $0xA000  }
0x4d: {  	[sflag:s10] =	ssyncset.done $0x0  }
0x4e: {  	[sflag:s10] =	ssyncadd.s32 $0xFFFF6000  }
0x4f: {  	[hbm4b:s18+s3] =	stream.linear.scatter [tilespmem:s7], [sflag:$0x3], $0xA000, $0x38;
	[tilespmem:$0x14500] =	vst v63  }
0x50: {  	_ =	swait.ge [sflag:s14], $0xA000  }
0x51: {  	[sflag:s14] =	ssyncset.done $0x0  }
0x52: {  	[sflag:s14] =	ssyncadd.s32 $0xFFFF6000  }
0x53: {  	[hbm4b:s19+s3] =	stream.linear.scatter [tilespmem:s9], [sflag:$0x4], $0xA000, $0x38;
	[tilespmem:$0x14500] =	vst v63  }
.Ltmp1:
0x54: {  	_ =	swait.ge [sflag:s12], $0xA000;
	(pc) =	sbr.rel @p0 .LBB2_1-.Ltmp1, $4  }
0x55: {  	[sflag:s12] =	ssyncset.done $0x0  }
0x56: {  	[sflag:s12] =	ssyncadd.s32 $0xFFFF6000  }
0x57: {  	_ =	swait.ge [sflag:s15], $0xA000  }
0x58: {  	[sflag:s15] =	ssyncset.done $0x0  }
.LBB2_2:
0x59: {  	[sflag:s15] =	ssyncadd.s32 $0xFFFF6000  }
0x5a: {  	_ =	sfence.sel $0x180000  }
0x5b: {  	[bflag:$0x0] =	sbarrier.arrive $0xFFFF  }
0x5c: {  	p0 =	sne.s32 s0, $0x0;
	_ =	strace $0x90000047  }
0x5d: {  	s0 =	sadd.s32 @!p0 $0x100000, s1;
	[bflag:$0x2] =	sbarrier.arrive $0xFFFF  }
0x5e: {  	[sflag:s0] =	ssyncadd.tile.s32 @!p0 $0x1;
	_ =	shalt  }
.Lfunc_end2:
_tile_overlayer_lowered:
.L_overlay_start_2:
0x5f: {  	(tag) =	ssettag $0x2  }
0x60: {  	s0 =	rddreg [dreg:$0x0];
	s2 =	stileid.u32  }
0x61: {  	s1 =	rddreg [dreg:$0x1];
	p0 =	sne.s32 s2, $0x0  }
0x62: {  	s3 =	rddreg [dreg:$0x2];
	[bflag:$0x3] =	sbarrier.arrive $0xFFFF;
	s2 =	simm.s32 @!p0 $0x1C05  }
0x63: {  	[timem:s3], [sflag:s2] =	dma.local @!p0 [hbm:s0], s1  }
0x64: {  	s0 =	simm.s32 @!p0 $0x5  }
0x65: {  	_ =	swait.ge @!p0 [sflag:s0], s1  }
0x66: {  	s1 =	ssub.s32 @!p0 $0x0, s1;
	[sflag:s0] =	ssyncset.done @!p0 $0x0  }
0x67: {  	[sflag:s0] =	ssyncadd.s32 @!p0 s1  }
0x68: {  	[bflag:$0x3] =	sbarrier.arrive $0xFFFF  }
0x69: {  	_ =	shalt  }

// kernel: kernel.16.cloned.1.call-start
scs
__scs_entry_jumppad:
0x0: {  	(pc) =	sbr.rel $0x88, $3  }
0x1: {  	(tag) =	ssettag $0x0;
	lr =	simm.s32 $0x1  }
0x2: {  	[smem:$0x3F9B] =	sst lr;
	_ =	strace $0xD0000000  }
0x3: {  	_ = 	snop  }
0x4: {  	_ = 	snop  }
0x5: {  	_ = 	snop  }
0x6: {  	_ = 	snop  }
0x7: {  	_ = 	snop  }
__scs_overlays_trampoline_lowered:
0x8: {  	[smem:$0x3FAA] =	sst s0  }
0x9: {  	[smem:$0x3FAB] =	sst s1  }
0xa: {  	[smem:$0x3FAC] =	sst s2  }
0xb: {  	[smem:$0x3FAD] =	sst s3  }
0xc: {  	[smem:$0x3FAE] =	sst s4  }
0xd: {  	[smem:$0x3FAF] =	sst s5  }
0xe: {  	[smem:$0x3FB0] =	sst s6  }
0xf: {  	[smem:$0x3FB1] =	sst s7  }
0x10: {  	[smem:$0x3FB2] =	sst s8  }
0x11: {  	[smem:$0x3FB3] =	sst s9;
	s0 =	simm.s32 @!p0 $0x0  }
0x12: {  	s1 =	sld [smem:$0x3F99];
	s0 =	simm.s32 @p0 $0x1  }
0x13: {  	[smem:$0x3FB4] =	sst s0;
	s0 =	simm.s32 @!p1 $0x0  }
0x14: {  	s2 =	sld [smem:$0x3F98];
	s0 =	simm.s32 @p1 $0x1  }
0x15: {  	[smem:$0x3FB5] =	sst s0;
	s0 =	simm.s32 @!p2 $0x0  }
0x16: {  	s3 =	sld [smem:$0x3FDB];
	s0 =	simm.s32 @p2 $0x1  }
0x17: {  	s4 =	simm.s32 $0x1BF5;
	[smem:$0x3FB7] =	sst s0  }
0x18: {  	s0 =	sld [smem:$0x3F9A];
	_ =	swait.ge [sflag:s4], $0x0  }
0x19: {  	s7 =	sld [smem:$0x3F9B]  }
0x1a: {  	s8 =	sadd.s32 $0xFFFFE003, lr  }
0x1b: {  	s9 =	sadd.s32 $0xFFFFFEF7, lr;
	s5 =	simm.s32 $0xFFFFFFFF;
	p2 =	slt.u32 s8, $0xFFFFF086  }
0x1c: {  	p1 =	slt.u32 s9, $0xF7A;
	s5 =	simm.s32 @!p2 $0x0  }
0x1d: {  	s5 =	simm.s32 @p1 $0x1;
	p0 =	seq.s32 s7, s2  }
0x1e: {  	s7 =	smul.u32 @!p0 $0xF7A, s2;
	p2 =	seq.s32 @!p0 s5, $0x0  }
0x1f: {  	s9 =	smul.u32 $0xF7A, s1;
	s8 =	simm.s32 @!p0 $0x1BF5;
	p2 =	por !p2, p0  }
0x20: {  	[sflag:s8] =	ssyncset.s32 @!p0 $0xFFFFF086;
	s6 =	sadd.s32 @!p0 s3, s7;
	s7 =	simm.s32 @!p0 $0x108  }
0x21: {  	s3 =	sadd.s32 s3, s9;
	s6 =	sadd.s32 @!p0 $0x88, s6;
	s7 =	simm.s32 @p2 $0x1082  }
0x22: {  	[simem:s7], [sflag:s8] =	dma.local @!p0 [hbm:s6], $0xF7A  }
0x23: {  	s9 =	sor.u32 $0xD0000000, s2;
	s6 =	simm.s32 $0x108;
	_ =	swait.ge @!p0 [sflag:s8], $0x0  }
0x24: {  	s3 =	sadd.s32 $0x88, s3;
	s6 =	simm.s32 @!p1 $0x1082;
	[sflag:s4] =	ssyncset.s32 $0xFFFFF086  }
0x25: {  	[simem:s6], [sflag:s4] =	dma.local [hbm:s3], $0xF7A  }
0x26: {  	[smem:$0x3F9B] =	sst s1;
	(tag) =	ssettag s2;
	_ =	strace s9  }
0x27: {  	s1 =	sld [smem:$0x3FAB]  }
0x28: {  	s2 =	sld [smem:$0x3FAC]  }
0x29: {  	s4 =	sld [smem:$0x3FAE]  }
0x2a: {  	p0 =	seq.s32 s5, $0x0;
	s5 =	sld [smem:$0x3FAF]  }
0x2b: {  	s6 =	sld [smem:$0x3FB0]  }
0x2c: {  	s7 =	sld [smem:$0x3FB1]  }
0x2d: {  	s3 =	simm.s32 $0x108;
	s8 =	sld [smem:$0x3FB2]  }
0x2e: {  	s3 =	simm.s32 @!p0 $0x1082;
	s9 =	sld [smem:$0x3FB3]  }
0x2f: {  	lr =	sadd.s32 s0, s3;
	s0 =	sld [smem:$0x3FAA]  }
0x30: {  	s3 =	sld [smem:$0x3FAD]  }
0x31: {  	[smem:$0x3FB6] =	sst s10  }
0x32: {  	s10 =	sld [smem:$0x3FB4];
	_ =	sdelay $0x3  }
0x33: {  	p0 =	seq.s32 s10, $0x1;
	s10 =	sld [smem:$0x3FB6];
	_ =	sdelay $0x3  }
0x34: {  	[smem:$0x3FB6] =	sst s10  }
0x35: {  	s10 =	sld [smem:$0x3FB5];
	_ =	sdelay $0x3  }
0x36: {  	p1 =	seq.s32 s10, $0x1;
	s10 =	sld [smem:$0x3FB6];
	_ =	sdelay $0x3  }
0x37: {  	[smem:$0x3FB6] =	sst s10  }
0x38: {  	s10 =	sld [smem:$0x3FB7]  }
0x39: {  	_ = 	snop;
	(pc) =	sbr.ind lr, $3  }
0x3a: {  	_ = 	snop  }
0x3b: {  	_ = 	snop  }
0x3c: {  	p2 =	seq.s32 s10, $0x1;
	s10 =	sld [smem:$0x3FB6]  }
0x3d: {  	_ =	shalt  }
0x3e: {  	_ =	shalt  }
0x3f: {  	_ =	shalt  }
0x40: {  	_ =	shalt  }
0x41: {  	_ =	shalt  }
0x42: {  	_ =	shalt  }
0x43: {  	_ =	shalt  }
0x44: {  	_ =	shalt  }
0x45: {  	_ =	shalt  }
0x46: {  	_ =	shalt  }
0x47: {  	_ =	shalt  }
0x48: {  	_ =	shalt  }
0x49: {  	_ =	shalt  }
0x4a: {  	_ =	shalt  }
0x4b: {  	_ =	shalt  }
0x4c: {  	_ =	shalt  }
0x4d: {  	_ =	shalt  }
0x4e: {  	_ =	shalt  }
0x4f: {  	_ =	shalt  }
0x50: {  	_ =	shalt  }
0x51: {  	_ =	shalt  }
0x52: {  	_ =	shalt  }
0x53: {  	_ =	shalt  }
0x54: {  	_ =	shalt  }
0x55: {  	_ =	shalt  }
0x56: {  	_ =	shalt  }
0x57: {  	_ =	shalt  }
0x58: {  	_ =	shalt  }
0x59: {  	_ =	shalt  }
0x5a: {  	_ =	shalt  }
0x5b: {  	_ =	shalt  }
0x5c: {  	_ =	shalt  }
0x5d: {  	_ =	shalt  }
0x5e: {  	_ =	shalt  }
0x5f: {  	_ =	shalt  }
0x60: {  	_ =	shalt  }
0x61: {  	_ =	shalt  }
0x62: {  	_ =	shalt  }
0x63: {  	_ =	shalt  }
0x64: {  	_ =	shalt  }
0x65: {  	_ =	shalt  }
0x66: {  	_ =	shalt  }
0x67: {  	_ =	shalt  }
0x68: {  	_ =	shalt  }
0x69: {  	_ =	shalt  }
0x6a: {  	_ =	shalt  }
0x6b: {  	_ =	shalt  }
0x6c: {  	_ =	shalt  }
0x6d: {  	_ =	shalt  }
0x6e: {  	_ =	shalt  }
0x6f: {  	_ =	shalt  }
0x70: {  	_ =	shalt  }
0x71: {  	_ =	shalt  }
0x72: {  	_ =	shalt  }
0x73: {  	_ =	shalt  }
0x74: {  	_ =	shalt  }
0x75: {  	_ =	shalt  }
0x76: {  	_ =	shalt  }
0x77: {  	_ =	shalt  }
0x78: {  	_ =	shalt  }
0x79: {  	_ =	shalt  }
0x7a: {  	_ =	shalt  }
0x7b: {  	_ =	shalt  }
0x7c: {  	_ =	shalt  }
0x7d: {  	_ =	shalt  }
0x7e: {  	_ =	shalt  }
0x7f: {  	_ =	shalt  }
0x80: {  	_ =	shalt  }
0x81: {  	_ =	shalt  }
0x82: {  	_ =	shalt  }
0x83: {  	_ =	shalt  }
0x84: {  	_ =	shalt  }
0x85: {  	_ =	shalt  }
0x86: {  	_ =	shalt  }
0x87: {  	_ =	shalt  }
.Lfunc_end0:
.L_simem_size_0:
called_computation.2_lowered:
.L_overlay_start_0:
0x88: {  	s2 =	sld [smem:$0x3FD9]  }
0x89: {  	s3 =	sld [smem:$0x3FFE];
	_ =	sdelay $0x1  }
0x8a: {  	s1 =	srdreg.scid  }
0x8b: {  	s0 =	sand.u32 $0x1, s1  }
0x8c: {  	s17 =	sshll.u32 s0, $0xA;
	s2 =	sadd.s32 s3, s2  }
0x8d: {  	s2 =	sadd.s32 s2, s17  }
0x8e: {  	[smem:$0x3FC2] =	sst s2  }
0x8f: {  	_ = 	snop  }
0x90: {  	s18 =	sld [smem:$0x3FC8];
	(tm) =	ssettm $0x1  }
0x91: {  	s19 =	sld [smem:$0x3FFB];
	_ =	sdelay $0x3  }
0x92: {  	_ =	strace s19  }
0x93: {  	s2 =	sld [smem:$0x3FFC];
	_ =	sdelay $0x3  }
0x94: {  	_ =	strace s2  }
0x95: {  	s2 =	sld [smem:$0x3FFD];
	_ =	sdelay $0x3  }
0x96: {  	_ =	strace s2  }
0x97: {  	_ =	strace $0x8FFFFFFF  }
0x98: {  	s20 =	sld [smem:$0x3FDB];
	_ =	sdelay $0x1  }
0x99: {  	s4 =	simm.s32 $_scs_section_size  }
0x9a: {  	s5 =	simm.s32 $_size__tile_overlayer_lowered;
	s6 =	simm.s32 $_tile_overlayer_lowered  }
0x9b: {  	s7 =	simm.s32 $0x1BFF;
	s21 =	sshll.u32 s6, $0x1;
	s4 =	sadd.s32 s4, s20  }
0x9c: {  	s22 =	simm.s32 $0x0;
	s5 =	sshll.u32 s5, $0x1;
	s6 =	sadd.s32 s21, s4  }
0x9d: {  	[timem:s22], [sflag:s7] =	dma.local [hbm:s6], s5  }
0x9e: {  	_ =	swait.ge [sflag:s7], s5  }
0x9f: {  	s5 =	ssub.s32 $0x0, s5;
	[sflag:s7] =	ssyncset.done $0x0  }
0xa0: {  	[sflag:s7] =	ssyncadd.s32 s5;
	_ =	sdelay $0x1  }
0xa1: {  	s23 =	simm.s32 $0x1B8B  }
0xa2: {  	_ =	swait.ge [sflag:s23], $0x1  }
0xa3: {  	[sflag:s23] =	ssyncset.done $0x0  }
0xa4: {  	[sflag:s23] =	ssyncadd.s32 $0xFFFFFFFF  }
0xa5: {  	s5 =	sld [smem:$0x0]  }
0xa6: {  	s6 =	sand.u32 $0xFFFFFFFE, s1  }
0xa7: {  	p0 =	sne.s32 s1, s6  }
0xa8: {  	s6 =	sshll.u32 @p0 s6, $0xE  }
0xa9: {  	s6 =	sadd.s32 @p0 $0x11B8D, s6;
	s7 =	sshll.u32 @p0 s5, $0x11  }
0xaa: {  	s6 =	sor.u32 @p0 s7, s6  }
0xab: {  	[sflag:s6] =	ssyncadd.remote.s32 @p0 $0x1;
	_ =	sdelay $0x1  }
0xac: {  	s6 =	simm.s32 @p0 $0x1B8D  }
0xad: {  	_ =	swait.eq @p0 [sflag:s6], $0x1  }
0xae: {  	[sflag:s6] =	ssyncadd.s32 @p0 $0xFFFFFFFF  }
0xaf: {  	s7 =	sshll.u32 @!p0 s1, $0xE  }
0xb0: {  	s7 =	sor.u32 @!p0 $0x4000, s7;
	s6 =	simm.s32 @!p0 $0x1B8D  }
0xb1: {  	s5 =	sshll.u32 @!p0 s5, $0x11;
	s7 =	sadd.s32 @!p0 $0x11B8D, s7;
	_ =	swait.eq @!p0 [sflag:s6], $0x1  }
0xb2: {  	s5 =	sor.u32 @!p0 s5, s7;
	[sflag:s6] =	ssyncadd.s32 @!p0 $0xFFFFFFFF  }
0xb3: {  	s25 =	simm.s32 $0x1B8E;
	s24 =	sld [smem:$0x3FFE];
	[sflag:s5] =	ssyncadd.remote.s32 @!p0 $0x1  }
0xb4: {  	s26 =	simm.s32 $execute0_lowered;
	[smem:$0x3FD2] =	sst s25  }
0xb5: {  	s6 =	sshll.u32 s26, $0x1;
	_ =	strace $0x80000049;
	[dreg:$0x1] =	wrdreg $0xFFFFFFFF  }
0xb6: {  	s28 =	simm.s32 $_size_execute0_lowered;
	s4 =	sadd.s32 s4, s6;
	[dreg:$0x0] =	wrdreg $0x0  }
0xb7: {  	s6 =	sshll.u32 s28, $0x1;
	[dreg:$0x2] =	wrdreg s4  }
0xb8: {  	[dreg:$0x3] =	wrdreg s6  }
0xb9: {  	[dreg:$0x4] =	wrdreg $0xC0  }
0xba: {  	_ =	task [dreg:s22], $0x5FFFF  }
0xbb: {  	[dreg:$0x1] =	wrdreg $0xFFFFFFFF  }
0xbc: {  	[dreg:$0x0] =	wrdreg $0x60  }
0xbd: {  	[dreg:$0x2] =	wrdreg s18  }
0xbe: {  	[dreg:$0x3] =	wrdreg s24  }
0xbf: {  	[dreg:$0x4] =	wrdreg $0xB  }
0xc0: {  	_ =	task.clear_ibuf [dreg:s22], $0x5FFFF;
	_ =	strace $0x90000049  }
0xc1: {  	s29 =	simm.s32 $0xB;
	_ =	strace $0x8000004B  }
0xc2: {  	_ =	swait.ge [sflag:s29], $0x1  }
0xc3: {  	[sflag:s29] =	ssyncadd.s32 $0xFFFFFFFF  }
0xc4: {  	_ =	strace $0x9000004B  }
0xc5: {  	_ =	sfence  }
0xc6: {  	s30 =	sld [smem:$0x0];
	_ =	sdelay $0x2  }
0xc7: {  	s31 =	sshll.u32 s1, $0xD;
	s1 =	sshrl.u32 s1, $0x2  }
0xc8: {  	s4 =	sand.u32 $0x4000, s31;
	s1 =	sadd.s32 s1, s30  }
0xc9: {  	s0 =	sor.u32 s4, s0;
	s1 =	sshll.u32 s1, $0x11  }
0xca: {  	s0 =	sor.u32 s1, s0  }
0xcb: {  	s0 =	sadd.s32 $0x8F2B, s0  }
0xcc: {  	[sflag:s0] =	ssyncadd.remote.s32 $0x1  }
0xcd: {  	_ =	sfence.sel $0xFFFF  }
0xce: {  	[dreg:$0x0] =	wrdreg $0xFFFFFFFF;
	(pc) =	sbr.abs _section_cstart, $3  }
0xcf: {  	[dreg:$0x1] =	wrdreg $0xFFFFFFFF  }
0xd0: {  	_ =	task.clear_ibuf [dreg:s22], $0x2FFFF;
	_ =	strace $0x9FFFFFFF  }
0xd1: {  	(tm) =	ssettm $0x7FFFFFFF  }
tec
execute0_lowered:
.L_overlay_start_1:
0x0: {  	(tag) =	ssettag $0x1  }
0x1: {  	s1 =	srdreg.scid;
	s0 =	stileid.u32  }
0x2: {  	s19 =	sand.u32 $0x1, s1;
	s30 =	sshll.u32 s0, $0x1  }
0x3: {  	s17 =	sor.u32 s19, s30  }
0x4: {  	s2 =	rddreg [dreg:$0x0];
	s6 =	smul.u32 $0x500, s17  }
0x5: {  	s11 =	rddreg [dreg:$0x1];
	s3 =	simm.s32 $0x0;
	s5 =	simm.s32 $0x5  }
0x6: {  	[smem:$0x7FF] =	sst s3;
	s8 =	sadd.s32 $0xA5000, s11;
	s4 =	sshrl.u32 s6, $0x3  }
0x7: {  	s1 =	rddreg [dreg:$0x2];
	_ =	strace $0x8000004A;
	s4 =	sadd.s32 s8, s4  }
0x8: {  	[tilespmem:s3], [sflag:$0x5] =	stream.linear.gather [hbm4b:s4+s3], $0x140, $0x38;
	[tilespmem:$0x14500] =	vst v63  }
0x9: {  	_ =	swait.ge [sflag:s5], $0x140  }
0xa: {  	s7 =	simm.s32 $0x500;
	s15 =	sadd.s32 $0x140, s6;
	[sflag:s5] =	ssyncset.done $0x0  }
0xb: {  	s6 =	simm.s32 $0x140;
	s9 =	sshrl.u32 s15, $0x3;
	[sflag:s5] =	ssyncadd.s32 $0xFFFFFEC0  }
0xc: {  	[tilespmem:s7], [sflag:$0x1] =	stream.indirect.gather [hbm4b:s2+s6], $0x80, s3, s6, $0xb8;
	[tilespmem:$0x14500] =	vst v63  }
0xd: {  	s8 =	sadd.s32 s8, s9  }
0xe: {  	[tilespmem:s6], [sflag:$0x5] =	stream.linear.gather [hbm4b:s8+s3], $0x3C0, $0x38;
	[tilespmem:$0x14500] =	vst v63  }
0xf: {  	_ =	swait.ge [sflag:s5], $0x3C0  }
0x10: {  	[sflag:s5] =	ssyncset.done $0x0  }
0x11: {  	s10 =	simm.s32 $0x1;
	s9 =	simm.s32 $0xA500;
	[sflag:s5] =	ssyncadd.s32 $0xFFFFFC40  }
0x12: {  	[tilespmem:s9], [sflag:$0x2] =	stream.indirect.gather [hbm4b:s2+s6], $0x80, s6, s6, $0xb8;
	[tilespmem:$0x14500] =	vst v63  }
0x13: {  	s12 =	smul.u32 $0x5000, s17;
	_ =	swait.ge [sflag:s10], $0xA000  }
0x14: {  	s18 =	sadd.s32 $0xA6400, s11;
	[sflag:s10] =	ssyncset.done $0x0  }
0x15: {  	s11 =	sadd.s32 s18, s12;
	s12 =	simm.s32 $0x3;
	[sflag:s10] =	ssyncadd.s32 $0xFFFF6000  }
0x16: {  	[hbm4b:s11+s3] =	stream.linear.scatter [tilespmem:s7], [sflag:$0x3], $0xA000, $0x38;
	[tilespmem:$0x14500] =	vst v63  }
0x17: {  	_ =	swait.ge [sflag:s12], $0xA000  }
0x18: {  	[sflag:s12] =	ssyncset.done $0x0  }
0x19: {  	s13 =	simm.s32 $0x280;
	s14 =	simm.s32 $0x2;
	[sflag:s12] =	ssyncadd.s32 $0xFFFF6000  }
0x1a: {  	[tilespmem:s7], [sflag:$0x1] =	stream.indirect.gather [hbm4b:s2+s6], $0x80, s13, s6, $0xb8;
	[tilespmem:$0x14500] =	vst v63  }
0x1b: {  	_ =	swait.ge [sflag:s14], $0xA000  }
0x1c: {  	s15 =	sshll.u32 s15, $0x4;
	[sflag:s14] =	ssyncset.done $0x0  }
0x1d: {  	s16 =	sadd.s32 s18, s15;
	s15 =	simm.s32 $0x4;
	[sflag:s14] =	ssyncadd.s32 $0xFFFF6000  }
0x1e: {  	[hbm4b:s16+s3] =	stream.linear.scatter [tilespmem:s9], [sflag:$0x4], $0xA000, $0x38;
	[tilespmem:$0x14500] =	vst v63  }
0x1f: {  	_ =	swait.ge [sflag:s15], $0xA000  }
0x20: {  	[sflag:s15] =	ssyncset.done $0x0  }
0x21: {  	s20 =	smul.u32 $0x28000, s17;
	s17 =	simm.s32 $0x3C0;
	[sflag:s15] =	ssyncadd.s32 $0xFFFF6000  }
0x22: {  	[tilespmem:s9], [sflag:$0x2] =	stream.indirect.gather [hbm4b:s2+s6], $0x80, s17, s6, $0xb8;
	[tilespmem:$0x14500] =	vst v63  }
0x23: {  	s20 =	sshrl.u32 s20, $0x3;
	_ =	swait.ge [sflag:s10], $0xA000  }
0x24: {  	s21 =	ssub.s32 $0x2, s19;
	s20 =	sadd.s32 s18, s20;
	[sflag:s10] =	ssyncset.done $0x0  }
0x25: {  	s31 =	sshrl.u32 s21, $0x1;
	s18 =	sadd.s32 $0x2800, s20;
	[sflag:s10] =	ssyncadd.s32 $0xFFFF6000  }
0x26: {  	[hbm4b:s18+s3] =	stream.linear.scatter [tilespmem:s7], [sflag:$0x3], $0xA000, $0x38;
	[tilespmem:$0x14500] =	vst v63  }
0x27: {  	s19 =	sadd.s32 $0x3C00, s20;
	s20 =	ssub.s32 s21, s31;
	_ =	swait.ge [sflag:s14], $0xA000  }
0x28: {  	s20 =	smax.u32 s20, $0x1;
	[sflag:s14] =	ssyncset.done $0x0  }
0x29: {  	p0 =	sne.s32 s20, $0x1;
	[sflag:s14] =	ssyncadd.s32 $0xFFFF6000  }
0x2a: {  	[hbm4b:s19+s3] =	stream.linear.scatter [tilespmem:s9], [sflag:$0x4], $0xA000, $0x38;
	[tilespmem:$0x14500] =	vst v63  }
.Ltmp0:
0x2b: {  	_ =	swait.ge [sflag:s12], $0xA000;
	(pc) =	sbr.rel @!p0 .LBB2_2-.Ltmp0, $4  }
0x2c: {  	[sflag:s12] =	ssyncset.done $0x0  }
0x2d: {  	[sflag:s12] =	ssyncadd.s32 $0xFFFF6000  }
0x2e: {  	_ =	swait.ge [sflag:s15], $0xA000  }
0x2f: {  	s20 =	sadd.s32 $0xFFFFFFFF, s20;
	[sflag:s15] =	ssyncset.done $0x0  }
.LBB2_1:
0x30: {  	p0 =	sne.s32 s20, $0x1;
	s20 =	sadd.s32 $0xFFFFFFFF, s20;
	[sflag:s15] =	ssyncadd.s32 $0xFFFF6000  }
0x31: {  	[tilespmem:s3], [sflag:$0x5] =	stream.linear.gather [hbm4b:s4+s3], $0x140, $0x38;
	[tilespmem:$0x14500] =	vst v63  }
0x32: {  	_ =	swait.ge [sflag:s5], $0x140  }
0x33: {  	[sflag:s5] =	ssyncset.done $0x0  }
0x34: {  	[sflag:s5] =	ssyncadd.s32 $0xFFFFFEC0  }
0x35: {  	[tilespmem:s7], [sflag:$0x1] =	stream.indirect.gather [hbm4b:s2+s6], $0x80, s3, s6, $0xb8;
	[tilespmem:$0x14500] =	vst v63  }
0x36: {  	_ = 	snop  }
0x37: {  	[tilespmem:s6], [sflag:$0x5] =	stream.linear.gather [hbm4b:s8+s3], $0x3C0, $0x38;
	[tilespmem:$0x14500] =	vst v63  }
0x38: {  	_ =	swait.ge [sflag:s5], $0x3C0  }
0x39: {  	[sflag:s5] =	ssyncset.done $0x0  }
0x3a: {  	[sflag:s5] =	ssyncadd.s32 $0xFFFFFC40  }
0x3b: {  	[tilespmem:s9], [sflag:$0x2] =	stream.indirect.gather [hbm4b:s2+s6], $0x80, s6, s6, $0xb8;
	[tilespmem:$0x14500] =	vst v63  }
0x3c: {  	_ =	swait.ge [sflag:s10], $0xA000  }
0x3d: {  	[sflag:s10] =	ssyncset.done $0x0  }
0x3e: {  	[sflag:s10] =	ssyncadd.s32 $0xFFFF6000  }
0x3f: {  	[hbm4b:s11+s3] =	stream.linear.scatter [tilespmem:s7], [sflag:$0x3], $0xA000, $0x38;
	[tilespmem:$0x14500] =	vst v63  }
0x40: {  	_ =	swait.ge [sflag:s12], $0xA000  }
0x41: {  	[sflag:s12] =	ssyncset.done $0x0  }
0x42: {  	[sflag:s12] =	ssyncadd.s32 $0xFFFF6000  }
0x43: {  	[tilespmem:s7], [sflag:$0x1] =	stream.indirect.gather [hbm4b:s2+s6], $0x80, s13, s6, $0xb8;
	[tilespmem:$0x14500] =	vst v63  }
0x44: {  	_ =	swait.ge [sflag:s14], $0xA000  }
0x45: {  	[sflag:s14] =	ssyncset.done $0x0  }
0x46: {  	[sflag:s14] =	ssyncadd.s32 $0xFFFF6000  }
0x47: {  	[hbm4b:s16+s3] =	stream.linear.scatter [tilespmem:s9], [sflag:$0x4], $0xA000, $0x38;
	[tilespmem:$0x14500] =	vst v63  }
0x48: {  	_ =	swait.ge [sflag:s15], $0xA000  }
0x49: {  	[sflag:s15] =	ssyncset.done $0x0  }
0x4a: {  	[sflag:s15] =	ssyncadd.s32 $0xFFFF6000  }
0x4b: {  	[tilespmem:s9], [sflag:$0x2] =	stream.indirect.gather [hbm4b:s2+s6], $0x80, s17, s6, $0xb8;
	[tilespmem:$0x14500] =	vst v63  }
0x4c: {  	_ =	swait.ge [sflag:s10], $0xA000  }
0x4d: {  	[sflag:s10] =	ssyncset.done $0x0  }
0x4e: {  	[sflag:s10] =	ssyncadd.s32 $0xFFFF6000  }
0x4f: {  	[hbm4b:s18+s3] =	stream.linear.scatter [tilespmem:s7], [sflag:$0x3], $0xA000, $0x38;
	[tilespmem:$0x14500] =	vst v63  }
0x50: {  	_ =	swait.ge [sflag:s14], $0xA000  }
0x51: {  	[sflag:s14] =	ssyncset.done $0x0  }
0x52: {  	[sflag:s14] =	ssyncadd.s32 $0xFFFF6000  }
0x53: {  	[hbm4b:s19+s3] =	stream.linear.scatter [tilespmem:s9], [sflag:$0x4], $0xA000, $0x38;
	[tilespmem:$0x14500] =	vst v63  }
.Ltmp1:
0x54: {  	_ =	swait.ge [sflag:s12], $0xA000;
	(pc) =	sbr.rel @p0 .LBB2_1-.Ltmp1, $4  }
0x55: {  	[sflag:s12] =	ssyncset.done $0x0  }
0x56: {  	[sflag:s12] =	ssyncadd.s32 $0xFFFF6000  }
0x57: {  	_ =	swait.ge [sflag:s15], $0xA000  }
0x58: {  	[sflag:s15] =	ssyncset.done $0x0  }
.LBB2_2:
0x59: {  	[sflag:s15] =	ssyncadd.s32 $0xFFFF6000  }
0x5a: {  	_ =	sfence.sel $0x180000  }
0x5b: {  	[bflag:$0x0] =	sbarrier.arrive $0xFFFF  }
0x5c: {  	p0 =	sne.s32 s0, $0x0;
	_ =	strace $0x9000004A  }
0x5d: {  	s0 =	sadd.s32 @!p0 $0x100000, s1;
	[bflag:$0x2] =	sbarrier.arrive $0xFFFF  }
0x5e: {  	[sflag:s0] =	ssyncadd.tile.s32 @!p0 $0x1;
	_ =	shalt  }
.Lfunc_end2:
_tile_overlayer_lowered:
.L_overlay_start_2:
0x5f: {  	(tag) =	ssettag $0x2  }
0x60: {  	s0 =	rddreg [dreg:$0x0];
	s2 =	stileid.u32  }
0x61: {  	s1 =	rddreg [dreg:$0x1];
	p0 =	sne.s32 s2, $0x0  }
0x62: {  	s3 =	rddreg [dreg:$0x2];
	[bflag:$0x3] =	sbarrier.arrive $0xFFFF;
	s2 =	simm.s32 @!p0 $0x1C05  }
0x63: {  	[timem:s3], [sflag:s2] =	dma.local @!p0 [hbm:s0], s1  }
0x64: {  	s0 =	simm.s32 @!p0 $0x5  }
0x65: {  	_ =	swait.ge @!p0 [sflag:s0], s1  }
0x66: {  	s1 =	ssub.s32 @!p0 $0x0, s1;
	[sflag:s0] =	ssyncset.done @!p0 $0x0  }
0x67: {  	[sflag:s0] =	ssyncadd.s32 @!p0 s1  }
0x68: {  	[bflag:$0x3] =	sbarrier.arrive $0xFFFF  }
0x69: {  	_ =	shalt  }

// kernel: kernel.19.cloned.1.call-start
scs
__scs_entry_jumppad:
0x0: {  	(pc) =	sbr.rel $0x88, $3  }
0x1: {  	(tag) =	ssettag $0x0;
	lr =	simm.s32 $0x1  }
0x2: {  	[smem:$0x3F9B] =	sst lr;
	_ =	strace $0xD0000000  }
0x3: {  	_ = 	snop  }
0x4: {  	_ = 	snop  }
0x5: {  	_ = 	snop  }
0x6: {  	_ = 	snop  }
0x7: {  	_ = 	snop  }
__scs_overlays_trampoline_lowered:
0x8: {  	[smem:$0x3FAA] =	sst s0  }
0x9: {  	[smem:$0x3FAB] =	sst s1  }
0xa: {  	[smem:$0x3FAC] =	sst s2  }
0xb: {  	[smem:$0x3FAD] =	sst s3  }
0xc: {  	[smem:$0x3FAE] =	sst s4  }
0xd: {  	[smem:$0x3FAF] =	sst s5  }
0xe: {  	[smem:$0x3FB0] =	sst s6  }
0xf: {  	[smem:$0x3FB1] =	sst s7  }
0x10: {  	[smem:$0x3FB2] =	sst s8  }
0x11: {  	[smem:$0x3FB3] =	sst s9;
	s0 =	simm.s32 @!p0 $0x0  }
0x12: {  	s1 =	sld [smem:$0x3F99];
	s0 =	simm.s32 @p0 $0x1  }
0x13: {  	[smem:$0x3FB4] =	sst s0;
	s0 =	simm.s32 @!p1 $0x0  }
0x14: {  	s2 =	sld [smem:$0x3F98];
	s0 =	simm.s32 @p1 $0x1  }
0x15: {  	[smem:$0x3FB5] =	sst s0;
	s0 =	simm.s32 @!p2 $0x0  }
0x16: {  	s3 =	sld [smem:$0x3FDB];
	s0 =	simm.s32 @p2 $0x1  }
0x17: {  	s4 =	simm.s32 $0x1BF5;
	[smem:$0x3FB7] =	sst s0  }
0x18: {  	s0 =	sld [smem:$0x3F9A];
	_ =	swait.ge [sflag:s4], $0x0  }
0x19: {  	s7 =	sld [smem:$0x3F9B]  }
0x1a: {  	s8 =	sadd.s32 $0xFFFFE003, lr  }
0x1b: {  	s9 =	sadd.s32 $0xFFFFFEF7, lr;
	s5 =	simm.s32 $0xFFFFFFFF;
	p2 =	slt.u32 s8, $0xFFFFF086  }
0x1c: {  	p1 =	slt.u32 s9, $0xF7A;
	s5 =	simm.s32 @!p2 $0x0  }
0x1d: {  	s5 =	simm.s32 @p1 $0x1;
	p0 =	seq.s32 s7, s2  }
0x1e: {  	s7 =	smul.u32 @!p0 $0xF7A, s2;
	p2 =	seq.s32 @!p0 s5, $0x0  }
0x1f: {  	s9 =	smul.u32 $0xF7A, s1;
	s8 =	simm.s32 @!p0 $0x1BF5;
	p2 =	por !p2, p0  }
0x20: {  	[sflag:s8] =	ssyncset.s32 @!p0 $0xFFFFF086;
	s6 =	sadd.s32 @!p0 s3, s7;
	s7 =	simm.s32 @!p0 $0x108  }
0x21: {  	s3 =	sadd.s32 s3, s9;
	s6 =	sadd.s32 @!p0 $0x88, s6;
	s7 =	simm.s32 @p2 $0x1082  }
0x22: {  	[simem:s7], [sflag:s8] =	dma.local @!p0 [hbm:s6], $0xF7A  }
0x23: {  	s9 =	sor.u32 $0xD0000000, s2;
	s6 =	simm.s32 $0x108;
	_ =	swait.ge @!p0 [sflag:s8], $0x0  }
0x24: {  	s3 =	sadd.s32 $0x88, s3;
	s6 =	simm.s32 @!p1 $0x1082;
	[sflag:s4] =	ssyncset.s32 $0xFFFFF086  }
0x25: {  	[simem:s6], [sflag:s4] =	dma.local [hbm:s3], $0xF7A  }
0x26: {  	[smem:$0x3F9B] =	sst s1;
	(tag) =	ssettag s2;
	_ =	strace s9  }
0x27: {  	s1 =	sld [smem:$0x3FAB]  }
0x28: {  	s2 =	sld [smem:$0x3FAC]  }
0x29: {  	s4 =	sld [smem:$0x3FAE]  }
0x2a: {  	p0 =	seq.s32 s5, $0x0;
	s5 =	sld [smem:$0x3FAF]  }
0x2b: {  	s6 =	sld [smem:$0x3FB0]  }
0x2c: {  	s7 =	sld [smem:$0x3FB1]  }
0x2d: {  	s3 =	simm.s32 $0x108;
	s8 =	sld [smem:$0x3FB2]  }
0x2e: {  	s3 =	simm.s32 @!p0 $0x1082;
	s9 =	sld [smem:$0x3FB3]  }
0x2f: {  	lr =	sadd.s32 s0, s3;
	s0 =	sld [smem:$0x3FAA]  }
0x30: {  	s3 =	sld [smem:$0x3FAD]  }
0x31: {  	[smem:$0x3FB6] =	sst s10  }
0x32: {  	s10 =	sld [smem:$0x3FB4];
	_ =	sdelay $0x3  }
0x33: {  	p0 =	seq.s32 s10, $0x1;
	s10 =	sld [smem:$0x3FB6];
	_ =	sdelay $0x3  }
0x34: {  	[smem:$0x3FB6] =	sst s10  }
0x35: {  	s10 =	sld [smem:$0x3FB5];
	_ =	sdelay $0x3  }
0x36: {  	p1 =	seq.s32 s10, $0x1;
	s10 =	sld [smem:$0x3FB6];
	_ =	sdelay $0x3  }
0x37: {  	[smem:$0x3FB6] =	sst s10  }
0x38: {  	s10 =	sld [smem:$0x3FB7]  }
0x39: {  	_ = 	snop;
	(pc) =	sbr.ind lr, $3  }
0x3a: {  	_ = 	snop  }
0x3b: {  	_ = 	snop  }
0x3c: {  	p2 =	seq.s32 s10, $0x1;
	s10 =	sld [smem:$0x3FB6]  }
0x3d: {  	_ =	shalt  }
0x3e: {  	_ =	shalt  }
0x3f: {  	_ =	shalt  }
0x40: {  	_ =	shalt  }
0x41: {  	_ =	shalt  }
0x42: {  	_ =	shalt  }
0x43: {  	_ =	shalt  }
0x44: {  	_ =	shalt  }
0x45: {  	_ =	shalt  }
0x46: {  	_ =	shalt  }
0x47: {  	_ =	shalt  }
0x48: {  	_ =	shalt  }
0x49: {  	_ =	shalt  }
0x4a: {  	_ =	shalt  }
0x4b: {  	_ =	shalt  }
0x4c: {  	_ =	shalt  }
0x4d: {  	_ =	shalt  }
0x4e: {  	_ =	shalt  }
0x4f: {  	_ =	shalt  }
0x50: {  	_ =	shalt  }
0x51: {  	_ =	shalt  }
0x52: {  	_ =	shalt  }
0x53: {  	_ =	shalt  }
0x54: {  	_ =	shalt  }
0x55: {  	_ =	shalt  }
0x56: {  	_ =	shalt  }
0x57: {  	_ =	shalt  }
0x58: {  	_ =	shalt  }
0x59: {  	_ =	shalt  }
0x5a: {  	_ =	shalt  }
0x5b: {  	_ =	shalt  }
0x5c: {  	_ =	shalt  }
0x5d: {  	_ =	shalt  }
0x5e: {  	_ =	shalt  }
0x5f: {  	_ =	shalt  }
0x60: {  	_ =	shalt  }
0x61: {  	_ =	shalt  }
0x62: {  	_ =	shalt  }
0x63: {  	_ =	shalt  }
0x64: {  	_ =	shalt  }
0x65: {  	_ =	shalt  }
0x66: {  	_ =	shalt  }
0x67: {  	_ =	shalt  }
0x68: {  	_ =	shalt  }
0x69: {  	_ =	shalt  }
0x6a: {  	_ =	shalt  }
0x6b: {  	_ =	shalt  }
0x6c: {  	_ =	shalt  }
0x6d: {  	_ =	shalt  }
0x6e: {  	_ =	shalt  }
0x6f: {  	_ =	shalt  }
0x70: {  	_ =	shalt  }
0x71: {  	_ =	shalt  }
0x72: {  	_ =	shalt  }
0x73: {  	_ =	shalt  }
0x74: {  	_ =	shalt  }
0x75: {  	_ =	shalt  }
0x76: {  	_ =	shalt  }
0x77: {  	_ =	shalt  }
0x78: {  	_ =	shalt  }
0x79: {  	_ =	shalt  }
0x7a: {  	_ =	shalt  }
0x7b: {  	_ =	shalt  }
0x7c: {  	_ =	shalt  }
0x7d: {  	_ =	shalt  }
0x7e: {  	_ =	shalt  }
0x7f: {  	_ =	shalt  }
0x80: {  	_ =	shalt  }
0x81: {  	_ =	shalt  }
0x82: {  	_ =	shalt  }
0x83: {  	_ =	shalt  }
0x84: {  	_ =	shalt  }
0x85: {  	_ =	shalt  }
0x86: {  	_ =	shalt  }
0x87: {  	_ =	shalt  }
.Lfunc_end0:
.L_simem_size_0:
called_computation.3_lowered:
.L_overlay_start_0:
0x88: {  	s2 =	sld [smem:$0x3FD9]  }
0x89: {  	s3 =	sld [smem:$0x3FFE];
	_ =	sdelay $0x1  }
0x8a: {  	s1 =	srdreg.scid  }
0x8b: {  	s0 =	sand.u32 $0x1, s1  }
0x8c: {  	s17 =	sshll.u32 s0, $0xA;
	s2 =	sadd.s32 s3, s2  }
0x8d: {  	s2 =	sadd.s32 s2, s17  }
0x8e: {  	[smem:$0x3FC2] =	sst s2  }
0x8f: {  	_ = 	snop  }
0x90: {  	s18 =	sld [smem:$0x3FC8];
	(tm) =	ssettm $0x1  }
0x91: {  	s19 =	sld [smem:$0x3FFB];
	_ =	sdelay $0x3  }
0x92: {  	_ =	strace s19  }
0x93: {  	s2 =	sld [smem:$0x3FFC];
	_ =	sdelay $0x3  }
0x94: {  	_ =	strace s2  }
0x95: {  	s2 =	sld [smem:$0x3FFD];
	_ =	sdelay $0x3  }
0x96: {  	_ =	strace s2  }
0x97: {  	_ =	strace $0x8FFFFFFF  }
0x98: {  	s20 =	sld [smem:$0x3FDB];
	_ =	sdelay $0x1  }
0x99: {  	s4 =	simm.s32 $_scs_section_size  }
0x9a: {  	s5 =	simm.s32 $_size__tile_overlayer_lowered;
	s6 =	simm.s32 $_tile_overlayer_lowered  }
0x9b: {  	s7 =	simm.s32 $0x1BFF;
	s21 =	sshll.u32 s6, $0x1;
	s4 =	sadd.s32 s4, s20  }
0x9c: {  	s22 =	simm.s32 $0x0;
	s5 =	sshll.u32 s5, $0x1;
	s6 =	sadd.s32 s21, s4  }
0x9d: {  	[timem:s22], [sflag:s7] =	dma.local [hbm:s6], s5  }
0x9e: {  	_ =	swait.ge [sflag:s7], s5  }
0x9f: {  	s5 =	ssub.s32 $0x0, s5;
	[sflag:s7] =	ssyncset.done $0x0  }
0xa0: {  	[sflag:s7] =	ssyncadd.s32 s5;
	_ =	sdelay $0x1  }
0xa1: {  	s23 =	simm.s32 $0x1B8B  }
0xa2: {  	_ =	swait.ge [sflag:s23], $0x1  }
0xa3: {  	[sflag:s23] =	ssyncset.done $0x0  }
0xa4: {  	[sflag:s23] =	ssyncadd.s32 $0xFFFFFFFF  }
0xa5: {  	s5 =	sld [smem:$0x0]  }
0xa6: {  	s6 =	sand.u32 $0xFFFFFFFE, s1  }
0xa7: {  	p0 =	sne.s32 s1, s6  }
0xa8: {  	s6 =	sshll.u32 @p0 s6, $0xE  }
0xa9: {  	s6 =	sadd.s32 @p0 $0x11B8D, s6;
	s7 =	sshll.u32 @p0 s5, $0x11  }
0xaa: {  	s6 =	sor.u32 @p0 s7, s6  }
0xab: {  	[sflag:s6] =	ssyncadd.remote.s32 @p0 $0x1;
	_ =	sdelay $0x1  }
0xac: {  	s6 =	simm.s32 @p0 $0x1B8D  }
0xad: {  	_ =	swait.eq @p0 [sflag:s6], $0x1  }
0xae: {  	[sflag:s6] =	ssyncadd.s32 @p0 $0xFFFFFFFF  }
0xaf: {  	s7 =	sshll.u32 @!p0 s1, $0xE  }
0xb0: {  	s7 =	sor.u32 @!p0 $0x4000, s7;
	s6 =	simm.s32 @!p0 $0x1B8D  }
0xb1: {  	s5 =	sshll.u32 @!p0 s5, $0x11;
	s7 =	sadd.s32 @!p0 $0x11B8D, s7;
	_ =	swait.eq @!p0 [sflag:s6], $0x1  }
0xb2: {  	s5 =	sor.u32 @!p0 s5, s7;
	[sflag:s6] =	ssyncadd.s32 @!p0 $0xFFFFFFFF  }
0xb3: {  	s25 =	simm.s32 $0x1B8E;
	s24 =	sld [smem:$0x3FFE];
	[sflag:s5] =	ssyncadd.remote.s32 @!p0 $0x1  }
0xb4: {  	s26 =	simm.s32 $execute0_lowered;
	[smem:$0x3FD2] =	sst s25  }
0xb5: {  	s6 =	sshll.u32 s26, $0x1;
	_ =	strace $0x8000004C;
	[dreg:$0x1] =	wrdreg $0xFFFFFFFF  }
0xb6: {  	s28 =	simm.s32 $_size_execute0_lowered;
	s4 =	sadd.s32 s4, s6;
	[dreg:$0x0] =	wrdreg $0x0  }
0xb7: {  	s6 =	sshll.u32 s28, $0x1;
	[dreg:$0x2] =	wrdreg s4  }
0xb8: {  	[dreg:$0x3] =	wrdreg s6  }
0xb9: {  	[dreg:$0x4] =	wrdreg $0xC0  }
0xba: {  	_ =	task [dreg:s22], $0x5FFFF  }
0xbb: {  	[dreg:$0x1] =	wrdreg $0xFFFFFFFF  }
0xbc: {  	[dreg:$0x0] =	wrdreg $0x60  }
0xbd: {  	[dreg:$0x2] =	wrdreg s18  }
0xbe: {  	[dreg:$0x3] =	wrdreg s24  }
0xbf: {  	[dreg:$0x4] =	wrdreg $0xC  }
0xc0: {  	_ =	task.clear_ibuf [dreg:s22], $0x5FFFF;
	_ =	strace $0x9000004C  }
0xc1: {  	s29 =	simm.s32 $0xC;
	_ =	strace $0x8000004E  }
0xc2: {  	_ =	swait.ge [sflag:s29], $0x1  }
0xc3: {  	[sflag:s29] =	ssyncadd.s32 $0xFFFFFFFF  }
0xc4: {  	_ =	strace $0x9000004E  }
0xc5: {  	_ =	sfence  }
0xc6: {  	s30 =	sld [smem:$0x0];
	_ =	sdelay $0x2  }
0xc7: {  	s31 =	sshll.u32 s1, $0xD;
	s1 =	sshrl.u32 s1, $0x2  }
0xc8: {  	s4 =	sand.u32 $0x4000, s31;
	s1 =	sadd.s32 s1, s30  }
0xc9: {  	s0 =	sor.u32 s4, s0;
	s1 =	sshll.u32 s1, $0x11  }
0xca: {  	s0 =	sor.u32 s1, s0  }
0xcb: {  	s0 =	sadd.s32 $0x8F2B, s0  }
0xcc: {  	[sflag:s0] =	ssyncadd.remote.s32 $0x1  }
0xcd: {  	_ =	sfence.sel $0xFFFF  }
0xce: {  	[dreg:$0x0] =	wrdreg $0xFFFFFFFF;
	(pc) =	sbr.abs _section_cstart, $3  }
0xcf: {  	[dreg:$0x1] =	wrdreg $0xFFFFFFFF  }
0xd0: {  	_ =	task.clear_ibuf [dreg:s22], $0x2FFFF;
	_ =	strace $0x9FFFFFFF  }
0xd1: {  	(tm) =	ssettm $0x7FFFFFFF  }
tec
execute0_lowered:
.L_overlay_start_1:
0x0: {  	(tag) =	ssettag $0x1  }
0x1: {  	s1 =	srdreg.scid;
	s0 =	stileid.u32  }
0x2: {  	s19 =	sand.u32 $0x1, s1;
	s30 =	sshll.u32 s0, $0x1  }
0x3: {  	s17 =	sor.u32 s19, s30  }
0x4: {  	s2 =	rddreg [dreg:$0x0];
	s6 =	smul.u32 $0x500, s17  }
0x5: {  	s11 =	rddreg [dreg:$0x1];
	s3 =	simm.s32 $0x0;
	s5 =	simm.s32 $0x5  }
0x6: {  	[smem:$0x7FF] =	sst s3;
	s8 =	sadd.s32 $0x146400, s11;
	s4 =	sshrl.u32 s6, $0x3  }
0x7: {  	s1 =	rddreg [dreg:$0x2];
	_ =	strace $0x8000004D;
	s4 =	sadd.s32 s8, s4  }
0x8: {  	[tilespmem:s3], [sflag:$0x5] =	stream.linear.gather [hbm4b:s4+s3], $0x140, $0x38;
	[tilespmem:$0x14500] =	vst v63  }
0x9: {  	_ =	swait.ge [sflag:s5], $0x140  }
0xa: {  	s7 =	simm.s32 $0x500;
	s15 =	sadd.s32 $0x140, s6;
	[sflag:s5] =	ssyncset.done $0x0  }
0xb: {  	s6 =	simm.s32 $0x140;
	s9 =	sshrl.u32 s15, $0x3;
	[sflag:s5] =	ssyncadd.s32 $0xFFFFFEC0  }
0xc: {  	[tilespmem:s7], [sflag:$0x1] =	stream.indirect.gather [hbm4b:s2+s6], $0x80, s3, s6, $0xb8;
	[tilespmem:$0x14500] =	vst v63  }
0xd: {  	s8 =	sadd.s32 s8, s9  }
0xe: {  	[tilespmem:s6], [sflag:$0x5] =	stream.linear.gather [hbm4b:s8+s3], $0x3C0, $0x38;
	[tilespmem:$0x14500] =	vst v63  }
0xf: {  	_ =	swait.ge [sflag:s5], $0x3C0  }
0x10: {  	[sflag:s5] =	ssyncset.done $0x0  }
0x11: {  	s10 =	simm.s32 $0x1;
	s9 =	simm.s32 $0xA500;
	[sflag:s5] =	ssyncadd.s32 $0xFFFFFC40  }
0x12: {  	[tilespmem:s9], [sflag:$0x2] =	stream.indirect.gather [hbm4b:s2+s6], $0x80, s6, s6, $0xb8;
	[tilespmem:$0x14500] =	vst v63  }
0x13: {  	s12 =	smul.u32 $0x5000, s17;
	_ =	swait.ge [sflag:s10], $0xA000  }
0x14: {  	s18 =	sadd.s32 $0x147800, s11;
	[sflag:s10] =	ssyncset.done $0x0  }
0x15: {  	s11 =	sadd.s32 s18, s12;
	s12 =	simm.s32 $0x3;
	[sflag:s10] =	ssyncadd.s32 $0xFFFF6000  }
0x16: {  	[hbm4b:s11+s3] =	stream.linear.scatter [tilespmem:s7], [sflag:$0x3], $0xA000, $0x38;
	[tilespmem:$0x14500] =	vst v63  }
0x17: {  	_ =	swait.ge [sflag:s12], $0xA000  }
0x18: {  	[sflag:s12] =	ssyncset.done $0x0  }
0x19: {  	s13 =	simm.s32 $0x280;
	s14 =	simm.s32 $0x2;
	[sflag:s12] =	ssyncadd.s32 $0xFFFF6000  }
0x1a: {  	[tilespmem:s7], [sflag:$0x1] =	stream.indirect.gather [hbm4b:s2+s6], $0x80, s13, s6, $0xb8;
	[tilespmem:$0x14500] =	vst v63  }
0x1b: {  	_ =	swait.ge [sflag:s14], $0xA000  }
0x1c: {  	s15 =	sshll.u32 s15, $0x4;
	[sflag:s14] =	ssyncset.done $0x0  }
0x1d: {  	s16 =	sadd.s32 s18, s15;
	s15 =	simm.s32 $0x4;
	[sflag:s14] =	ssyncadd.s32 $0xFFFF6000  }
0x1e: {  	[hbm4b:s16+s3] =	stream.linear.scatter [tilespmem:s9], [sflag:$0x4], $0xA000, $0x38;
	[tilespmem:$0x14500] =	vst v63  }
0x1f: {  	_ =	swait.ge [sflag:s15], $0xA000  }
0x20: {  	[sflag:s15] =	ssyncset.done $0x0  }
0x21: {  	s20 =	smul.u32 $0x28000, s17;
	s17 =	simm.s32 $0x3C0;
	[sflag:s15] =	ssyncadd.s32 $0xFFFF6000  }
0x22: {  	[tilespmem:s9], [sflag:$0x2] =	stream.indirect.gather [hbm4b:s2+s6], $0x80, s17, s6, $0xb8;
	[tilespmem:$0x14500] =	vst v63  }
0x23: {  	s20 =	sshrl.u32 s20, $0x3;
	_ =	swait.ge [sflag:s10], $0xA000  }
0x24: {  	s21 =	ssub.s32 $0x2, s19;
	s20 =	sadd.s32 s18, s20;
	[sflag:s10] =	ssyncset.done $0x0  }
0x25: {  	s31 =	sshrl.u32 s21, $0x1;
	s18 =	sadd.s32 $0x2800, s20;
	[sflag:s10] =	ssyncadd.s32 $0xFFFF6000  }
0x26: {  	[hbm4b:s18+s3] =	stream.linear.scatter [tilespmem:s7], [sflag:$0x3], $0xA000, $0x38;
	[tilespmem:$0x14500] =	vst v63  }
0x27: {  	s19 =	sadd.s32 $0x3C00, s20;
	s20 =	ssub.s32 s21, s31;
	_ =	swait.ge [sflag:s14], $0xA000  }
0x28: {  	s20 =	smax.u32 s20, $0x1;
	[sflag:s14] =	ssyncset.done $0x0  }
0x29: {  	p0 =	sne.s32 s20, $0x1;
	[sflag:s14] =	ssyncadd.s32 $0xFFFF6000  }
0x2a: {  	[hbm4b:s19+s3] =	stream.linear.scatter [tilespmem:s9], [sflag:$0x4], $0xA000, $0x38;
	[tilespmem:$0x14500] =	vst v63  }
.Ltmp0:
0x2b: {  	_ =	swait.ge [sflag:s12], $0xA000;
	(pc) =	sbr.rel @!p0 .LBB2_2-.Ltmp0, $4  }
0x2c: {  	[sflag:s12] =	ssyncset.done $0x0  }
0x2d: {  	[sflag:s12] =	ssyncadd.s32 $0xFFFF6000  }
0x2e: {  	_ =	swait.ge [sflag:s15], $0xA000  }
0x2f: {  	s20 =	sadd.s32 $0xFFFFFFFF, s20;
	[sflag:s15] =	ssyncset.done $0x0  }
.LBB2_1:
0x30: {  	p0 =	sne.s32 s20, $0x1;
	s20 =	sadd.s32 $0xFFFFFFFF, s20;
	[sflag:s15] =	ssyncadd.s32 $0xFFFF6000  }
0x31: {  	[tilespmem:s3], [sflag:$0x5] =	stream.linear.gather [hbm4b:s4+s3], $0x140, $0x38;
	[tilespmem:$0x14500] =	vst v63  }
0x32: {  	_ =	swait.ge [sflag:s5], $0x140  }
0x33: {  	[sflag:s5] =	ssyncset.done $0x0  }
0x34: {  	[sflag:s5] =	ssyncadd.s32 $0xFFFFFEC0  }
0x35: {  	[tilespmem:s7], [sflag:$0x1] =	stream.indirect.gather [hbm4b:s2+s6], $0x80, s3, s6, $0xb8;
	[tilespmem:$0x14500] =	vst v63  }
0x36: {  	_ = 	snop  }
0x37: {  	[tilespmem:s6], [sflag:$0x5] =	stream.linear.gather [hbm4b:s8+s3], $0x3C0, $0x38;
	[tilespmem:$0x14500] =	vst v63  }
0x38: {  	_ =	swait.ge [sflag:s5], $0x3C0  }
0x39: {  	[sflag:s5] =	ssyncset.done $0x0  }
0x3a: {  	[sflag:s5] =	ssyncadd.s32 $0xFFFFFC40  }
0x3b: {  	[tilespmem:s9], [sflag:$0x2] =	stream.indirect.gather [hbm4b:s2+s6], $0x80, s6, s6, $0xb8;
	[tilespmem:$0x14500] =	vst v63  }
0x3c: {  	_ =	swait.ge [sflag:s10], $0xA000  }
0x3d: {  	[sflag:s10] =	ssyncset.done $0x0  }
0x3e: {  	[sflag:s10] =	ssyncadd.s32 $0xFFFF6000  }
0x3f: {  	[hbm4b:s11+s3] =	stream.linear.scatter [tilespmem:s7], [sflag:$0x3], $0xA000, $0x38;
	[tilespmem:$0x14500] =	vst v63  }
0x40: {  	_ =	swait.ge [sflag:s12], $0xA000  }
0x41: {  	[sflag:s12] =	ssyncset.done $0x0  }
0x42: {  	[sflag:s12] =	ssyncadd.s32 $0xFFFF6000  }
0x43: {  	[tilespmem:s7], [sflag:$0x1] =	stream.indirect.gather [hbm4b:s2+s6], $0x80, s13, s6, $0xb8;
	[tilespmem:$0x14500] =	vst v63  }
0x44: {  	_ =	swait.ge [sflag:s14], $0xA000  }
0x45: {  	[sflag:s14] =	ssyncset.done $0x0  }
0x46: {  	[sflag:s14] =	ssyncadd.s32 $0xFFFF6000  }
0x47: {  	[hbm4b:s16+s3] =	stream.linear.scatter [tilespmem:s9], [sflag:$0x4], $0xA000, $0x38;
	[tilespmem:$0x14500] =	vst v63  }
0x48: {  	_ =	swait.ge [sflag:s15], $0xA000  }
0x49: {  	[sflag:s15] =	ssyncset.done $0x0  }
0x4a: {  	[sflag:s15] =	ssyncadd.s32 $0xFFFF6000  }
0x4b: {  	[tilespmem:s9], [sflag:$0x2] =	stream.indirect.gather [hbm4b:s2+s6], $0x80, s17, s6, $0xb8;
	[tilespmem:$0x14500] =	vst v63  }
0x4c: {  	_ =	swait.ge [sflag:s10], $0xA000  }
0x4d: {  	[sflag:s10] =	ssyncset.done $0x0  }
0x4e: {  	[sflag:s10] =	ssyncadd.s32 $0xFFFF6000  }
0x4f: {  	[hbm4b:s18+s3] =	stream.linear.scatter [tilespmem:s7], [sflag:$0x3], $0xA000, $0x38;
	[tilespmem:$0x14500] =	vst v63  }
0x50: {  	_ =	swait.ge [sflag:s14], $0xA000  }
0x51: {  	[sflag:s14] =	ssyncset.done $0x0  }
0x52: {  	[sflag:s14] =	ssyncadd.s32 $0xFFFF6000  }
0x53: {  	[hbm4b:s19+s3] =	stream.linear.scatter [tilespmem:s9], [sflag:$0x4], $0xA000, $0x38;
	[tilespmem:$0x14500] =	vst v63  }
.Ltmp1:
0x54: {  	_ =	swait.ge [sflag:s12], $0xA000;
	(pc) =	sbr.rel @p0 .LBB2_1-.Ltmp1, $4  }
0x55: {  	[sflag:s12] =	ssyncset.done $0x0  }
0x56: {  	[sflag:s12] =	ssyncadd.s32 $0xFFFF6000  }
0x57: {  	_ =	swait.ge [sflag:s15], $0xA000  }
0x58: {  	[sflag:s15] =	ssyncset.done $0x0  }
.LBB2_2:
0x59: {  	[sflag:s15] =	ssyncadd.s32 $0xFFFF6000  }
0x5a: {  	_ =	sfence.sel $0x180000  }
0x5b: {  	[bflag:$0x0] =	sbarrier.arrive $0xFFFF  }
0x5c: {  	p0 =	sne.s32 s0, $0x0;
	_ =	strace $0x9000004D  }
0x5d: {  	s0 =	sadd.s32 @!p0 $0x100000, s1;
	[bflag:$0x2] =	sbarrier.arrive $0xFFFF  }
0x5e: {  	[sflag:s0] =	ssyncadd.tile.s32 @!p0 $0x1;
	_ =	shalt  }
.Lfunc_end2:
_tile_overlayer_lowered:
.L_overlay_start_2:
0x5f: {  	(tag) =	ssettag $0x2  }
0x60: {  	s0 =	rddreg [dreg:$0x0];
	s2 =	stileid.u32  }
0x61: {  	s1 =	rddreg [dreg:$0x1];
	p0 =	sne.s32 s2, $0x0  }
0x62: {  	s3 =	rddreg [dreg:$0x2];
	[bflag:$0x3] =	sbarrier.arrive $0xFFFF;
	s2 =	simm.s32 @!p0 $0x1C05  }
0x63: {  	[timem:s3], [sflag:s2] =	dma.local @!p0 [hbm:s0], s1  }
0x64: {  	s0 =	simm.s32 @!p0 $0x5  }
0x65: {  	_ =	swait.ge @!p0 [sflag:s0], s1  }
0x66: {  	s1 =	ssub.s32 @!p0 $0x0, s1;
	[sflag:s0] =	ssyncset.done @!p0 $0x0  }
0x67: {  	[sflag:s0] =	ssyncadd.s32 @!p0 s1  }
0x68: {  	[bflag:$0x3] =	sbarrier.arrive $0xFFFF  }
0x69: {  	_ =	shalt  }

</sc_bundles>
